<compile_context>
chip_gen: v7x
topology: tpu7x:2x2x1
jax: 0.10.2.dev20260603
libtpu: 0.0.44.dev20260713+nightly
codegen_flags: <defaults>
</compile_context>

<pallas_src>
import math

import jax
import jax.numpy as jnp
from jax import lax
from jax.experimental import pallas as pl
from jax.experimental.pallas import tpu as pltpu
from jax.experimental.pallas import tpu_sc as plsc

D = 64
B_TOTAL = 1024 * 200
NC, NS, L = 2, 16, 16
NW = NC * NS
ROWS_W = B_TOTAL // NW
GROUP = 128
NGROUP = ROWS_W // GROUP
NBUF = 2
SEQ = 200
NSEG = 3


def _sinusoidal_pe(seq_len, d_model):
    pos = jnp.arange(seq_len, dtype=jnp.float32)[:, None]
    div = jnp.exp(
        jnp.arange(0, d_model, 2, dtype=jnp.float32)
        * (-math.log(10000.0) / d_model)
    )
    pe = jnp.zeros((seq_len, d_model), dtype=jnp.float32)
    pe = pe.at[:, 0::2].set(jnp.sin(pos * div))
    pe = pe.at[:, 1::2].set(jnp.cos(pos * div))
    return pe


def _body(x_hbm, seg_hbm, tok_hbm, comb_hbm, out_hbm,
          idx_v, cidx_v, tok_bufs, comb_bufs, out_bufs, gsems, ssems):
    wid = lax.axis_index("s") * NC + lax.axis_index("c")
    base = wid * ROWS_W

    pltpu.sync_copy(x_hbm.at[pl.ds(base, ROWS_W)], idx_v)
    pltpu.sync_copy(seg_hbm.at[pl.ds(base, ROWS_W)], cidx_v)

    iota = lax.iota(jnp.int32, L)
    def cidx_body(j, carry):
        off = j * L
        posv = (off + iota) % SEQ
        segv = cidx_v[pl.ds(off, L)]
        cidx_v[pl.ds(off, L)] = segv * SEQ + posv
        return carry
    lax.fori_loop(0, ROWS_W // L, cidx_body, 0)

    def gathers_start(g, b):
        pltpu.make_async_copy(
            tok_hbm.at[idx_v.at[pl.ds(g * GROUP, GROUP)]],
            tok_bufs[b], gsems[b]).start()
        pltpu.make_async_copy(
            comb_hbm.at[cidx_v.at[pl.ds(g * GROUP, GROUP)]],
            comb_bufs[b], gsems[b]).start()

    def gathers_wait(g, b):
        pltpu.make_async_copy(
            tok_hbm.at[idx_v.at[pl.ds(g * GROUP, GROUP)]],
            tok_bufs[b], gsems[b]).wait()
        pltpu.make_async_copy(
            comb_hbm.at[cidx_v.at[pl.ds(g * GROUP, GROUP)]],
            comb_bufs[b], gsems[b]).wait()

    def scatter_start(g, b):
        pltpu.make_async_copy(
            out_bufs[b], out_hbm.at[pl.ds(base + g * GROUP, GROUP)],
            ssems[b]).start()

    def scatter_wait(g, b):
        pltpu.make_async_copy(
            out_bufs[b], out_hbm.at[pl.ds(base + g * GROUP, GROUP)],
            ssems[b]).wait()

    for b in range(NBUF):
        gathers_start(b, b)

    def outer(og, carry):
        for b in range(NBUF):
            g = og * NBUF + b
            gathers_wait(g, b)
            @pl.when(og > 0)
            def _():
                scatter_wait(g - NBUF, b)

            def row_body(t, rcarry):
                for c in range(D // L):
                    tv = tok_bufs[b][t, pl.ds(c * L, L)]
                    cv = comb_bufs[b][t, pl.ds(c * L, L)]
                    out_bufs[b][t, pl.ds(c * L, L)] = tv * 8.0 + cv
                return rcarry
            lax.fori_loop(0, GROUP, row_body, 0)

            @pl.when(g + NBUF < NGROUP)
            def _():
                gathers_start(g + NBUF, b)
            scatter_start(g, b)
        return carry
    lax.fori_loop(0, NGROUP // NBUF, outer, 0)

    for b in range(NBUF):
        scatter_wait(NGROUP - NBUF + b, b)


def _sc_embed(x_flat, seg_flat, token_table, comb):
    mesh = plsc.VectorSubcoreMesh(core_axis_name="c", subcore_axis_name="s")

    def body(x_hbm, seg_hbm, tok_hbm, comb_hbm, out_hbm,
             idx_v, cidx_v, tb0, tb1, cb0, cb1, ob0, ob1,
             gs0, gs1, ss0, ss1):
        _body(x_hbm, seg_hbm, tok_hbm, comb_hbm, out_hbm,
              idx_v, cidx_v, (tb0, tb1), (cb0, cb1), (ob0, ob1),
              (gs0, gs1), (ss0, ss1))

    run = pl.kernel(
        body,
        out_type=jax.ShapeDtypeStruct((B_TOTAL, D), jnp.float32),
        mesh=mesh,
        scratch_types=[
            pltpu.VMEM((ROWS_W,), jnp.int32),
            pltpu.VMEM((ROWS_W,), jnp.int32),
            pltpu.VMEM((GROUP, D), jnp.float32),
            pltpu.VMEM((GROUP, D), jnp.float32),
            pltpu.VMEM((GROUP, D), jnp.float32),
            pltpu.VMEM((GROUP, D), jnp.float32),
            pltpu.VMEM((GROUP, D), jnp.float32),
            pltpu.VMEM((GROUP, D), jnp.float32),
            pltpu.SemaphoreType.DMA,
            pltpu.SemaphoreType.DMA,
            pltpu.SemaphoreType.DMA,
            pltpu.SemaphoreType.DMA,
        ],
        compiler_params=pltpu.CompilerParams(
            use_tc_tiling_on_sc=False, needs_layout_passes=False),
    )
    return run(x_flat, seg_flat, token_table, comb)


def kernel(x, segment_label, token_table, segment_table):
    batch, seq = x.shape
    x_flat = x.reshape(-1).astype(jnp.int32)
    seg_flat = segment_label.reshape(-1).astype(jnp.int32)
    pe = _sinusoidal_pe(seq, D)
    comb = (segment_table[:, None, :] + pe[None, :, :]).reshape(NSEG * SEQ, D)
    out = _sc_embed(x_flat, seg_flat, token_table, comb)
    return out.reshape(batch, seq, D)

# --- scband reference (transcript-rebuilt; emitter-appended) ---
"""Pipeline reference for scband-bert-embeddings-3324304687252 (READ-ONLY COPY).

The authoritative reference and input builder live on the scoring server;
editing this copy changes nothing except your own understanding.
"""

import jax, jax.numpy as jnp
import numpy as np
import math

VOCAB = 1000000
EMB_DIM = 64
BATCH = 1024
SEQ = 200

def _sinusoidal_pe(seq_len, d_model):
    pos = jnp.arange(seq_len, dtype=jnp.float32)[:, None]
    div = jnp.exp(jnp.arange(0, d_model, 2, dtype=jnp.float32) * (-math.log(10000.0) / d_model))
    pe = jnp.zeros((seq_len, d_model), dtype=jnp.float32)
    pe = pe.at[:, 0::2].set(jnp.sin(pos * div))
    pe = pe.at[:, 1::2].set(jnp.cos(pos * div))
    return pe

def setup_inputs(seed: int = 0) -> dict:
    key = jax.random.key(seed)
    k1, k2, k3, k4 = jax.random.split(key, 4)
    x = jax.random.randint(k1, (BATCH, SEQ), 0, VOCAB, dtype=jnp.int64 if jax.config.jax_enable_x64 else jnp.int32)
    segment_label = jax.random.randint(k2, (BATCH, SEQ), 0, 3, dtype=jnp.int64 if jax.config.jax_enable_x64 else jnp.int32)
    token_table = jax.random.normal(k3, (VOCAB, EMB_DIM), dtype=jnp.float32)
    segment_table = jax.random.normal(k4, (3, EMB_DIM), dtype=jnp.float32)
    return {"x": x, "segment_label": segment_label, "token_table": token_table, "segment_table": segment_table}

def reference(x, segment_label, token_table, segment_table):
    d_model = token_table.shape[1]
    # token embedding (Annotated-Transformer style: lut(x) * sqrt(d_model))
    tok = jnp.take(token_table, x, axis=0) * jnp.sqrt(jnp.float32(d_model))
    # positional encoding (sinusoidal, added; dropout is identity at eval)
    pe = _sinusoidal_pe(x.shape[1], d_model)
    out = tok + pe[None, :, :]
    # segment embedding
    out = out + jnp.take(segment_table, segment_label, axis=0)
    # final dropout: identity at eval
    return out

if __name__ == "__main__":
    import jax
    _d = setup_inputs()
    print(jax.jit(kernel)(*tuple(_d.values())))

</pallas_src>

<mosaic_0001>
#map = affine_map<(d0, d1) -> (0)>
#map1 = affine_map<(d0, d1) -> (0, 0)>
module attributes {stable_mosaic.version = 14 : i64} {
  func.func @body(%arg0: i32, %arg1: i32, %arg2: memref<204800xi32, #tpu.memory_space<hbm>>, %arg3: memref<204800xi32, #tpu.memory_space<hbm>>, %arg4: memref<1000000x64xf32, #tpu.memory_space<hbm>>, %arg5: memref<600x64xf32, #tpu.memory_space<hbm>>, %arg6: memref<204800x64xf32, #tpu.memory_space<hbm>>, %arg7: memref<6400xi32, #tpu.memory_space<vmem>>, %arg8: memref<6400xi32, #tpu.memory_space<vmem>>, %arg9: memref<128x64xf32, #tpu.memory_space<vmem>>, %arg10: memref<128x64xf32, #tpu.memory_space<vmem>>, %arg11: memref<128x64xf32, #tpu.memory_space<vmem>>, %arg12: memref<128x64xf32, #tpu.memory_space<vmem>>, %arg13: memref<128x64xf32, #tpu.memory_space<vmem>>, %arg14: memref<128x64xf32, #tpu.memory_space<vmem>>, %arg15: memref<!tpu.dma_semaphore, #tpu.memory_space<semaphore_mem>>, %arg16: memref<!tpu.dma_semaphore, #tpu.memory_space<semaphore_mem>>, %arg17: memref<!tpu.dma_semaphore, #tpu.memory_space<semaphore_mem>>, %arg18: memref<!tpu.dma_semaphore, #tpu.memory_space<semaphore_mem>>) attributes {dimension_semantics = [#tpu.dimension_semantics<core_parallel>, #tpu.dimension_semantics<subcore_parallel>], iteration_bounds = array<i64: 2, 16>, scalar_prefetch = 0 : i64, scratch_operands = 12 : i64, tpu.core_type = #tpu.core_type<sc_vector_subcore>, window_params = [{transform_indices = #map}, {transform_indices = #map}, {transform_indices = #map1}, {transform_indices = #map1}, {transform_indices = #map1}]} {
    %mul3A = arith.constant 2 : i32
    %mul3A_0 = arith.muli %arg1, %mul3A : i32
    %add3A = arith.addi %mul3A_0, %arg0 : i32
    %mul3A_1 = arith.constant 6400 : i32
    %mul3A_2 = arith.muli %add3A, %mul3A_1 : i32
    "tpu.region"() ({
      %run_scoped3A = tpu.sem_alloc : memref<!tpu.dma_semaphore, #tpu.memory_space<semaphore_mem>>
      %dma_start3A_44 = tpu.memref_slice %arg2[%mul3A_2] : memref<204800xi32, #tpu.memory_space<hbm>> -> memref<6400xi32, #tpu.memory_space<hbm>>
      %dma_start3A_45 = tpu.memref_slice %arg2[%mul3A_2] : memref<204800xi32, #tpu.memory_space<hbm>> -> memref<6400xi32, #tpu.memory_space<hbm>>
      tpu.enqueue_dma source(%dma_start3A_45 : memref<6400xi32, #tpu.memory_space<hbm>>) target(%arg7 : memref<6400xi32, #tpu.memory_space<vmem>>) target_semaphore(%run_scoped3A : memref<!tpu.dma_semaphore, #tpu.memory_space<semaphore_mem>>)
      %dma_wait3A_46 = tpu.memref_slice %arg2[%mul3A_2] : memref<204800xi32, #tpu.memory_space<hbm>> -> memref<6400xi32, #tpu.memory_space<hbm>>
      %dma_wait3A_47 = tpu.memref_slice %arg2[%mul3A_2] : memref<204800xi32, #tpu.memory_space<hbm>> -> memref<6400xi32, #tpu.memory_space<hbm>>
      tpu.wait_dma2 semaphore(%run_scoped3A : memref<!tpu.dma_semaphore, #tpu.memory_space<semaphore_mem>>) src(%dma_wait3A_47 : memref<6400xi32, #tpu.memory_space<hbm>>) dst(%arg7 : memref<6400xi32, #tpu.memory_space<vmem>>)
      tpu.yield
    }) : () -> ()
    "tpu.region"() ({
      %run_scoped3A = tpu.sem_alloc : memref<!tpu.dma_semaphore, #tpu.memory_space<semaphore_mem>>
      %dma_start3A_44 = tpu.memref_slice %arg3[%mul3A_2] : memref<204800xi32, #tpu.memory_space<hbm>> -> memref<6400xi32, #tpu.memory_space<hbm>>
      %dma_start3A_45 = tpu.memref_slice %arg3[%mul3A_2] : memref<204800xi32, #tpu.memory_space<hbm>> -> memref<6400xi32, #tpu.memory_space<hbm>>
      tpu.enqueue_dma source(%dma_start3A_45 : memref<6400xi32, #tpu.memory_space<hbm>>) target(%arg8 : memref<6400xi32, #tpu.memory_space<vmem>>) target_semaphore(%run_scoped3A : memref<!tpu.dma_semaphore, #tpu.memory_space<semaphore_mem>>)
      %dma_wait3A_46 = tpu.memref_slice %arg3[%mul3A_2] : memref<204800xi32, #tpu.memory_space<hbm>> -> memref<6400xi32, #tpu.memory_space<hbm>>
      %dma_wait3A_47 = tpu.memref_slice %arg3[%mul3A_2] : memref<204800xi32, #tpu.memory_space<hbm>> -> memref<6400xi32, #tpu.memory_space<hbm>>
      tpu.wait_dma2 semaphore(%run_scoped3A : memref<!tpu.dma_semaphore, #tpu.memory_space<semaphore_mem>>) src(%dma_wait3A_47 : memref<6400xi32, #tpu.memory_space<hbm>>) dst(%arg8 : memref<6400xi32, #tpu.memory_space<vmem>>)
      tpu.yield
    }) : () -> ()
    %iota3A = tpu.iota {dimensions = array<i32: 0>} : vector<16xi32>
    %scan3A = arith.constant 0 : i32
    %scan3A_3 = arith.constant 0 : i32
    %scan3A_4 = arith.constant 400 : i32
    %scan3A_5 = arith.addi %scan3A_3, %scan3A_4 : i32
    %scan3A_6 = arith.constant 1 : i32
    scf.for %scan3A_44 = %scan3A_3 to %scan3A_5 step %scan3A_6  : i32 {
      %mul3A_45 = arith.constant 16 : i32
      %mul3A_46 = arith.muli %scan3A_44, %mul3A_45 : i32
      %add3A_47 = vector.broadcast %mul3A_46 : i32 to vector<16xi32>
      %add3A_48 = arith.addi %add3A_47, %iota3A : vector<16xi32>
      %jit3A = arith.constant 200 : i32
      %eq3A = arith.constant 0 : i32
      %eq3A_49 = arith.cmpi eq, %jit3A, %eq3A : i32
      %jit3A_50 = arith.constant 1 : i32
      %select_n3A = arith.select %eq3A_49, %jit3A_50, %jit3A : i32
      %rem3A = vector.broadcast %select_n3A : i32 to vector<16xi32>
      %rem3A_51 = arith.remsi %add3A_48, %rem3A : vector<16xi32>
      %ne3A = arith.constant 0 : i32
      %ne3A_52 = vector.broadcast %ne3A : i32 to vector<16xi32>
      %ne3A_53 = arith.cmpi ne, %rem3A_51, %ne3A_52 : vector<16xi32>
      %lt3A = arith.constant 0 : i32
      %lt3A_54 = vector.broadcast %lt3A : i32 to vector<16xi32>
      %lt3A_55 = arith.cmpi slt, %rem3A_51, %lt3A_54 : vector<16xi32>
      %lt3A_56 = arith.constant 0 : i32
      %lt3A_57 = arith.cmpi slt, %select_n3A, %lt3A_56 : i32
      %ne3A_58 = vector.broadcast %lt3A_57 : i1 to vector<16xi1>
      %ne3A_59 = vector.broadcast %ne3A_58 : vector<16xi1> to vector<16xi1>
      %ne3A_60 = arith.xori %lt3A_55, %ne3A_59 : vector<16xi1>
      %and3A = arith.andi %ne3A_60, %ne3A_53 : vector<16xi1>
      %add3A_61 = vector.broadcast %select_n3A : i32 to vector<16xi32>
      %add3A_62 = arith.addi %rem3A_51, %add3A_61 : vector<16xi32>
      %select_n3A_63 = arith.select %and3A, %add3A_62, %rem3A_51 : vector<16xi1>, vector<16xi32>
      %get3A = arith.index_cast %mul3A_46 : i32 to index
      %get3A_64 = tpu.vector_load %arg8[%get3A] {strides = array<i32>} : memref<6400xi32, #tpu.memory_space<vmem>>, vector<16xi32>,
      %mul3A_65 = arith.constant 200 : i32
      %mul3A_66 = vector.broadcast %mul3A_65 : i32 to vector<16xi32>
      %mul3A_67 = arith.muli %get3A_64, %mul3A_66 : vector<16xi32>
      %add3A_68 = arith.addi %mul3A_67, %select_n3A_63 : vector<16xi32>
      %swap3A = arith.index_cast %mul3A_46 : i32 to index
      %swap3A_69 = tpu.vector_load %arg8[%swap3A] {strides = array<i32>} : memref<6400xi32, #tpu.memory_space<vmem>>, vector<16xi32>,
      tpu.vector_store %arg8[%swap3A], %add3A_68 {strides = array<i32>} : memref<6400xi32, #tpu.memory_space<vmem>>, vector<16xi32>,
    }
    %scan3A_7 = arith.constant 400 : i32
    %dma_start3A = arith.constant 0 : i32
    %dma_start3A_8 = tpu.memref_slice %arg7[%dma_start3A] : memref<6400xi32, #tpu.memory_space<vmem>> -> memref<128xi32, #tpu.memory_space<vmem>>
    %dma_start3A_9 = arith.constant 0 : i32
    %dma_start3A_10 = arith.constant 0 : i32
    %dma_start3A_11 = tpu.memref_slice %arg4[%dma_start3A_9, %dma_start3A_10] : memref<1000000x64xf32, #tpu.memory_space<hbm>> -> memref<1000000x64xf32, #tpu.memory_space<hbm>>
    tpu.enqueue_indirect_dma source(%dma_start3A_11 : memref<1000000x64xf32, #tpu.memory_space<hbm>>) target(%arg9 : memref<128x64xf32, #tpu.memory_space<vmem>>) offsets(%dma_start3A_8 : memref<128xi32, #tpu.memory_space<vmem>>) semaphore(%arg15 : memref<!tpu.dma_semaphore, #tpu.memory_space<semaphore_mem>>)
    %dma_start3A_12 = arith.constant 0 : i32
    %dma_start3A_13 = tpu.memref_slice %arg8[%dma_start3A_12] : memref<6400xi32, #tpu.memory_space<vmem>> -> memref<128xi32, #tpu.memory_space<vmem>>
    %dma_start3A_14 = arith.constant 0 : i32
    %dma_start3A_15 = arith.constant 0 : i32
    %dma_start3A_16 = tpu.memref_slice %arg5[%dma_start3A_14, %dma_start3A_15] : memref<600x64xf32, #tpu.memory_space<hbm>> -> memref<600x64xf32, #tpu.memory_space<hbm>>
    tpu.enqueue_indirect_dma source(%dma_start3A_16 : memref<600x64xf32, #tpu.memory_space<hbm>>) target(%arg11 : memref<128x64xf32, #tpu.memory_space<vmem>>) offsets(%dma_start3A_13 : memref<128xi32, #tpu.memory_space<vmem>>) semaphore(%arg15 : memref<!tpu.dma_semaphore, #tpu.memory_space<semaphore_mem>>)
    %dma_start3A_17 = arith.constant 128 : i32
    %dma_start3A_18 = tpu.memref_slice %arg7[%dma_start3A_17] : memref<6400xi32, #tpu.memory_space<vmem>> -> memref<128xi32, #tpu.memory_space<vmem>>
    %dma_start3A_19 = arith.constant 0 : i32
    %dma_start3A_20 = arith.constant 0 : i32
    %dma_start3A_21 = tpu.memref_slice %arg4[%dma_start3A_19, %dma_start3A_20] : memref<1000000x64xf32, #tpu.memory_space<hbm>> -> memref<1000000x64xf32, #tpu.memory_space<hbm>>
    tpu.enqueue_indirect_dma source(%dma_start3A_21 : memref<1000000x64xf32, #tpu.memory_space<hbm>>) target(%arg10 : memref<128x64xf32, #tpu.memory_space<vmem>>) offsets(%dma_start3A_18 : memref<128xi32, #tpu.memory_space<vmem>>) semaphore(%arg16 : memref<!tpu.dma_semaphore, #tpu.memory_space<semaphore_mem>>)
    %dma_start3A_22 = arith.constant 128 : i32
    %dma_start3A_23 = tpu.memref_slice %arg8[%dma_start3A_22] : memref<6400xi32, #tpu.memory_space<vmem>> -> memref<128xi32, #tpu.memory_space<vmem>>
    %dma_start3A_24 = arith.constant 0 : i32
    %dma_start3A_25 = arith.constant 0 : i32
    %dma_start3A_26 = tpu.memref_slice %arg5[%dma_start3A_24, %dma_start3A_25] : memref<600x64xf32, #tpu.memory_space<hbm>> -> memref<600x64xf32, #tpu.memory_space<hbm>>
    tpu.enqueue_indirect_dma source(%dma_start3A_26 : memref<600x64xf32, #tpu.memory_space<hbm>>) target(%arg12 : memref<128x64xf32, #tpu.memory_space<vmem>>) offsets(%dma_start3A_23 : memref<128xi32, #tpu.memory_space<vmem>>) semaphore(%arg16 : memref<!tpu.dma_semaphore, #tpu.memory_space<semaphore_mem>>)
    %scan3A_27 = arith.constant 0 : i32
    %scan3A_28 = arith.constant 0 : i32
    %scan3A_29 = arith.constant 25 : i32
    %scan3A_30 = arith.addi %scan3A_28, %scan3A_29 : i32
    %scan3A_31 = arith.constant 1 : i32
    scf.for %scan3A_44 = %scan3A_28 to %scan3A_30 step %scan3A_31  : i32 {
      %mul3A_45 = arith.constant 2 : i32
      %mul3A_46 = arith.muli %scan3A_44, %mul3A_45 : i32
      %add3A_47 = arith.constant 0 : i32
      %add3A_48 = arith.addi %mul3A_46, %add3A_47 : i32
      %mul3A_49 = arith.constant 128 : i32
      %mul3A_50 = arith.muli %add3A_48, %mul3A_49 : i32
      %dma_wait3A_51 = tpu.memref_slice %arg7[%mul3A_50] : memref<6400xi32, #tpu.memory_space<vmem>> -> memref<128xi32, #tpu.memory_space<vmem>>
      %dma_wait3A_52 = arith.constant 0 : i32
      %dma_wait3A_53 = arith.constant 0 : i32
      %dma_wait3A_54 = tpu.memref_slice %arg4[%dma_wait3A_52, %dma_wait3A_53] : memref<1000000x64xf32, #tpu.memory_space<hbm>> -> memref<1000000x64xf32, #tpu.memory_space<hbm>>
      tpu.wait_indirect_dma semaphore(%arg15 : memref<!tpu.dma_semaphore, #tpu.memory_space<semaphore_mem>>) src(%dma_wait3A_54 : memref<1000000x64xf32, #tpu.memory_space<hbm>>) dst(%arg9 : memref<128x64xf32, #tpu.memory_space<vmem>>)
      %mul3A_55 = arith.constant 128 : i32
      %mul3A_56 = arith.muli %add3A_48, %mul3A_55 : i32
      %dma_wait3A_57 = tpu.memref_slice %arg8[%mul3A_56] : memref<6400xi32, #tpu.memory_space<vmem>> -> memref<128xi32, #tpu.memory_space<vmem>>
      %dma_wait3A_58 = arith.constant 0 : i32
      %dma_wait3A_59 = arith.constant 0 : i32
      %dma_wait3A_60 = tpu.memref_slice %arg5[%dma_wait3A_58, %dma_wait3A_59] : memref<600x64xf32, #tpu.memory_space<hbm>> -> memref<600x64xf32, #tpu.memory_space<hbm>>
      tpu.wait_indirect_dma semaphore(%arg15 : memref<!tpu.dma_semaphore, #tpu.memory_space<semaphore_mem>>) src(%dma_wait3A_60 : memref<600x64xf32, #tpu.memory_space<hbm>>) dst(%arg11 : memref<128x64xf32, #tpu.memory_space<vmem>>)
      %gt3A = arith.constant 0 : i32
      %gt3A_61 = arith.cmpi sgt, %scan3A_44, %gt3A : i32
      %convert_element_type3A = arith.extui %gt3A_61 : i1 to i32
      %cond3A = arith.constant 0 : i32
      %cond3A_62 = arith.cmpi ne, %convert_element_type3A, %cond3A : i32
      scf.if %cond3A_62 {
        %sub3A = arith.constant 2 : i32
        %sub3A_123 = arith.subi %add3A_48, %sub3A : i32
        %mul3A_124 = arith.constant 128 : i32
        %mul3A_125 = arith.muli %sub3A_123, %mul3A_124 : i32
        %add3A_126 = arith.addi %mul3A_2, %mul3A_125 : i32
        %dma_wait3A_127 = arith.constant 0 : i32
        %dma_wait3A_128 = tpu.memref_slice %arg6[%add3A_126, %dma_wait3A_127] : memref<204800x64xf32, #tpu.memory_space<hbm>> -> memref<128x64xf32, #tpu.memory_space<hbm>>
        %dma_wait3A_129 = arith.constant 0 : i32
        %dma_wait3A_130 = tpu.memref_slice %arg6[%add3A_126, %dma_wait3A_129] : memref<204800x64xf32, #tpu.memory_space<hbm>> -> memref<128x64xf32, #tpu.memory_space<hbm>>
        tpu.wait_dma2 semaphore(%arg17 : memref<!tpu.dma_semaphore, #tpu.memory_space<semaphore_mem>>) src(%arg13 : memref<128x64xf32, #tpu.memory_space<vmem>>) dst(%dma_wait3A_130 : memref<128x64xf32, #tpu.memory_space<hbm>>)
      } else {
      }
      %scan3A_63 = arith.constant 0 : i32
      %scan3A_64 = arith.constant 0 : i32
      %scan3A_65 = arith.constant 128 : i32
      %scan3A_66 = arith.addi %scan3A_64, %scan3A_65 : i32
      %scan3A_67 = arith.constant 1 : i32
      scf.for %scan3A_123 = %scan3A_64 to %scan3A_66 step %scan3A_67  : i32 {
        %get3A = arith.index_cast %scan3A_123 : i32 to index
        %get3A_124 = arith.constant 0 : index
        %get3A_125 = tpu.vector_load %arg9[%get3A, %get3A_124] {strides = array<i32>} : memref<128x64xf32, #tpu.memory_space<vmem>>, vector<16xf32>,
        %get3A_126 = arith.index_cast %scan3A_123 : i32 to index
        %get3A_127 = arith.constant 0 : index
        %get3A_128 = tpu.vector_load %arg11[%get3A_126, %get3A_127] {strides = array<i32>} : memref<128x64xf32, #tpu.memory_space<vmem>>, vector<16xf32>,
        %mul3A_129 = arith.constant 8.000000e+00 : f32
        %mul3A_130 = vector.broadcast %mul3A_129 : f32 to vector<16xf32>
        %mul3A_131 = arith.mulf %get3A_125, %mul3A_130 : vector<16xf32>
        %add3A_132 = arith.addf %mul3A_131, %get3A_128 : vector<16xf32>
        %swap3A = arith.index_cast %scan3A_123 : i32 to index
        %swap3A_133 = arith.constant 0 : index
        %swap3A_134 = tpu.vector_load %arg13[%swap3A, %swap3A_133] {strides = array<i32>} : memref<128x64xf32, #tpu.memory_space<vmem>>, vector<16xf32>,
        tpu.vector_store %arg13[%swap3A, %swap3A_133], %add3A_132 {strides = array<i32>} : memref<128x64xf32, #tpu.memory_space<vmem>>, vector<16xf32>,
        %get3A_135 = arith.index_cast %scan3A_123 : i32 to index
        %get3A_136 = arith.constant 16 : index
        %get3A_137 = tpu.vector_load %arg9[%get3A_135, %get3A_136] {strides = array<i32>} : memref<128x64xf32, #tpu.memory_space<vmem>>, vector<16xf32>,
        %get3A_138 = arith.index_cast %scan3A_123 : i32 to index
        %get3A_139 = arith.constant 16 : index
        %get3A_140 = tpu.vector_load %arg11[%get3A_138, %get3A_139] {strides = array<i32>} : memref<128x64xf32, #tpu.memory_space<vmem>>, vector<16xf32>,
        %mul3A_141 = arith.constant 8.000000e+00 : f32
        %mul3A_142 = vector.broadcast %mul3A_141 : f32 to vector<16xf32>
        %mul3A_143 = arith.mulf %get3A_137, %mul3A_142 : vector<16xf32>
        %add3A_144 = arith.addf %mul3A_143, %get3A_140 : vector<16xf32>
        %swap3A_145 = arith.index_cast %scan3A_123 : i32 to index
        %swap3A_146 = arith.constant 16 : index
        %swap3A_147 = tpu.vector_load %arg13[%swap3A_145, %swap3A_146] {strides = array<i32>} : memref<128x64xf32, #tpu.memory_space<vmem>>, vector<16xf32>,
        tpu.vector_store %arg13[%swap3A_145, %swap3A_146], %add3A_144 {strides = array<i32>} : memref<128x64xf32, #tpu.memory_space<vmem>>, vector<16xf32>,
        %get3A_148 = arith.index_cast %scan3A_123 : i32 to index
        %get3A_149 = arith.constant 32 : index
        %get3A_150 = tpu.vector_load %arg9[%get3A_148, %get3A_149] {strides = array<i32>} : memref<128x64xf32, #tpu.memory_space<vmem>>, vector<16xf32>,
        %get3A_151 = arith.index_cast %scan3A_123 : i32 to index
        %get3A_152 = arith.constant 32 : index
        %get3A_153 = tpu.vector_load %arg11[%get3A_151, %get3A_152] {strides = array<i32>} : memref<128x64xf32, #tpu.memory_space<vmem>>, vector<16xf32>,
        %mul3A_154 = arith.constant 8.000000e+00 : f32
        %mul3A_155 = vector.broadcast %mul3A_154 : f32 to vector<16xf32>
        %mul3A_156 = arith.mulf %get3A_150, %mul3A_155 : vector<16xf32>
        %add3A_157 = arith.addf %mul3A_156, %get3A_153 : vector<16xf32>
        %swap3A_158 = arith.index_cast %scan3A_123 : i32 to index
        %swap3A_159 = arith.constant 32 : index
        %swap3A_160 = tpu.vector_load %arg13[%swap3A_158, %swap3A_159] {strides = array<i32>} : memref<128x64xf32, #tpu.memory_space<vmem>>, vector<16xf32>,
        tpu.vector_store %arg13[%swap3A_158, %swap3A_159], %add3A_157 {strides = array<i32>} : memref<128x64xf32, #tpu.memory_space<vmem>>, vector<16xf32>,
        %get3A_161 = arith.index_cast %scan3A_123 : i32 to index
        %get3A_162 = arith.constant 48 : index
        %get3A_163 = tpu.vector_load %arg9[%get3A_161, %get3A_162] {strides = array<i32>} : memref<128x64xf32, #tpu.memory_space<vmem>>, vector<16xf32>,
        %get3A_164 = arith.index_cast %scan3A_123 : i32 to index
        %get3A_165 = arith.constant 48 : index
        %get3A_166 = tpu.vector_load %arg11[%get3A_164, %get3A_165] {strides = array<i32>} : memref<128x64xf32, #tpu.memory_space<vmem>>, vector<16xf32>,
        %mul3A_167 = arith.constant 8.000000e+00 : f32
        %mul3A_168 = vector.broadcast %mul3A_167 : f32 to vector<16xf32>
        %mul3A_169 = arith.mulf %get3A_163, %mul3A_168 : vector<16xf32>
        %add3A_170 = arith.addf %mul3A_169, %get3A_166 : vector<16xf32>
        %swap3A_171 = arith.index_cast %scan3A_123 : i32 to index
        %swap3A_172 = arith.constant 48 : index
        %swap3A_173 = tpu.vector_load %arg13[%swap3A_171, %swap3A_172] {strides = array<i32>} : memref<128x64xf32, #tpu.memory_space<vmem>>, vector<16xf32>,
        tpu.vector_store %arg13[%swap3A_171, %swap3A_172], %add3A_170 {strides = array<i32>} : memref<128x64xf32, #tpu.memory_space<vmem>>, vector<16xf32>,
      }
      %scan3A_68 = arith.constant 128 : i32
      %add3A_69 = arith.constant 2 : i32
      %add3A_70 = arith.addi %add3A_48, %add3A_69 : i32
      %lt3A = arith.constant 50 : i32
      %lt3A_71 = arith.cmpi slt, %add3A_70, %lt3A : i32
      %convert_element_type3A_72 = arith.extui %lt3A_71 : i1 to i32
      %cond3A_73 = arith.constant 0 : i32
      %cond3A_74 = arith.cmpi ne, %convert_element_type3A_72, %cond3A_73 : i32
      scf.if %cond3A_74 {
        %add3A_123 = arith.constant 2 : i32
        %add3A_124 = arith.addi %add3A_48, %add3A_123 : i32
        %mul3A_125 = arith.constant 128 : i32
        %mul3A_126 = arith.muli %add3A_124, %mul3A_125 : i32
        %dma_start3A_127 = tpu.memref_slice %arg7[%mul3A_126] : memref<6400xi32, #tpu.memory_space<vmem>> -> memref<128xi32, #tpu.memory_space<vmem>>
        %dma_start3A_128 = arith.constant 0 : i32
        %dma_start3A_129 = arith.constant 0 : i32
        %dma_start3A_130 = tpu.memref_slice %arg4[%dma_start3A_128, %dma_start3A_129] : memref<1000000x64xf32, #tpu.memory_space<hbm>> -> memref<1000000x64xf32, #tpu.memory_space<hbm>>
        tpu.enqueue_indirect_dma source(%dma_start3A_130 : memref<1000000x64xf32, #tpu.memory_space<hbm>>) target(%arg9 : memref<128x64xf32, #tpu.memory_space<vmem>>) offsets(%dma_start3A_127 : memref<128xi32, #tpu.memory_space<vmem>>) semaphore(%arg15 : memref<!tpu.dma_semaphore, #tpu.memory_space<semaphore_mem>>)
        %mul3A_131 = arith.constant 128 : i32
        %mul3A_132 = arith.muli %add3A_124, %mul3A_131 : i32
        %dma_start3A_133 = tpu.memref_slice %arg8[%mul3A_132] : memref<6400xi32, #tpu.memory_space<vmem>> -> memref<128xi32, #tpu.memory_space<vmem>>
        %dma_start3A_134 = arith.constant 0 : i32
        %dma_start3A_135 = arith.constant 0 : i32
        %dma_start3A_136 = tpu.memref_slice %arg5[%dma_start3A_134, %dma_start3A_135] : memref<600x64xf32, #tpu.memory_space<hbm>> -> memref<600x64xf32, #tpu.memory_space<hbm>>
        tpu.enqueue_indirect_dma source(%dma_start3A_136 : memref<600x64xf32, #tpu.memory_space<hbm>>) target(%arg11 : memref<128x64xf32, #tpu.memory_space<vmem>>) offsets(%dma_start3A_133 : memref<128xi32, #tpu.memory_space<vmem>>) semaphore(%arg15 : memref<!tpu.dma_semaphore, #tpu.memory_space<semaphore_mem>>)
      } else {
      }
      %mul3A_75 = arith.constant 128 : i32
      %mul3A_76 = arith.muli %add3A_48, %mul3A_75 : i32
      %add3A_77 = arith.addi %mul3A_2, %mul3A_76 : i32
      %dma_start3A_78 = arith.constant 0 : i32
      %dma_start3A_79 = tpu.memref_slice %arg6[%add3A_77, %dma_start3A_78] : memref<204800x64xf32, #tpu.memory_space<hbm>> -> memref<128x64xf32, #tpu.memory_space<hbm>>
      %dma_start3A_80 = arith.constant 0 : i32
      %dma_start3A_81 = tpu.memref_slice %arg6[%add3A_77, %dma_start3A_80] : memref<204800x64xf32, #tpu.memory_space<hbm>> -> memref<128x64xf32, #tpu.memory_space<hbm>>
      tpu.enqueue_dma source(%arg13 : memref<128x64xf32, #tpu.memory_space<vmem>>) target(%dma_start3A_81 : memref<128x64xf32, #tpu.memory_space<hbm>>) target_semaphore(%arg17 : memref<!tpu.dma_semaphore, #tpu.memory_space<semaphore_mem>>)
      %mul3A_82 = arith.constant 2 : i32
      %mul3A_83 = arith.muli %scan3A_44, %mul3A_82 : i32
      %add3A_84 = arith.constant 1 : i32
      %add3A_85 = arith.addi %mul3A_83, %add3A_84 : i32
      %mul3A_86 = arith.constant 128 : i32
      %mul3A_87 = arith.muli %add3A_85, %mul3A_86 : i32
      %dma_wait3A_88 = tpu.memref_slice %arg7[%mul3A_87] : memref<6400xi32, #tpu.memory_space<vmem>> -> memref<128xi32, #tpu.memory_space<vmem>>
      %dma_wait3A_89 = arith.constant 0 : i32
      %dma_wait3A_90 = arith.constant 0 : i32
      %dma_wait3A_91 = tpu.memref_slice %arg4[%dma_wait3A_89, %dma_wait3A_90] : memref<1000000x64xf32, #tpu.memory_space<hbm>> -> memref<1000000x64xf32, #tpu.memory_space<hbm>>
      tpu.wait_indirect_dma semaphore(%arg16 : memref<!tpu.dma_semaphore, #tpu.memory_space<semaphore_mem>>) src(%dma_wait3A_91 : memref<1000000x64xf32, #tpu.memory_space<hbm>>) dst(%arg10 : memref<128x64xf32, #tpu.memory_space<vmem>>)
      %mul3A_92 = arith.constant 128 : i32
      %mul3A_93 = arith.muli %add3A_85, %mul3A_92 : i32
      %dma_wait3A_94 = tpu.memref_slice %arg8[%mul3A_93] : memref<6400xi32, #tpu.memory_space<vmem>> -> memref<128xi32, #tpu.memory_space<vmem>>
      %dma_wait3A_95 = arith.constant 0 : i32
      %dma_wait3A_96 = arith.constant 0 : i32
      %dma_wait3A_97 = tpu.memref_slice %arg5[%dma_wait3A_95, %dma_wait3A_96] : memref<600x64xf32, #tpu.memory_space<hbm>> -> memref<600x64xf32, #tpu.memory_space<hbm>>
      tpu.wait_indirect_dma semaphore(%arg16 : memref<!tpu.dma_semaphore, #tpu.memory_space<semaphore_mem>>) src(%dma_wait3A_97 : memref<600x64xf32, #tpu.memory_space<hbm>>) dst(%arg12 : memref<128x64xf32, #tpu.memory_space<vmem>>)
      %gt3A_98 = arith.constant 0 : i32
      %gt3A_99 = arith.cmpi sgt, %scan3A_44, %gt3A_98 : i32
      %convert_element_type3A_100 = arith.extui %gt3A_99 : i1 to i32
      %cond3A_101 = arith.constant 0 : i32
      %cond3A_102 = arith.cmpi ne, %convert_element_type3A_100, %cond3A_101 : i32
      scf.if %cond3A_102 {
        %sub3A = arith.constant 2 : i32
        %sub3A_123 = arith.subi %add3A_85, %sub3A : i32
        %mul3A_124 = arith.constant 128 : i32
        %mul3A_125 = arith.muli %sub3A_123, %mul3A_124 : i32
        %add3A_126 = arith.addi %mul3A_2, %mul3A_125 : i32
        %dma_wait3A_127 = arith.constant 0 : i32
        %dma_wait3A_128 = tpu.memref_slice %arg6[%add3A_126, %dma_wait3A_127] : memref<204800x64xf32, #tpu.memory_space<hbm>> -> memref<128x64xf32, #tpu.memory_space<hbm>>
        %dma_wait3A_129 = arith.constant 0 : i32
        %dma_wait3A_130 = tpu.memref_slice %arg6[%add3A_126, %dma_wait3A_129] : memref<204800x64xf32, #tpu.memory_space<hbm>> -> memref<128x64xf32, #tpu.memory_space<hbm>>
        tpu.wait_dma2 semaphore(%arg18 : memref<!tpu.dma_semaphore, #tpu.memory_space<semaphore_mem>>) src(%arg14 : memref<128x64xf32, #tpu.memory_space<vmem>>) dst(%dma_wait3A_130 : memref<128x64xf32, #tpu.memory_space<hbm>>)
      } else {
      }
      %scan3A_103 = arith.constant 0 : i32
      %scan3A_104 = arith.constant 0 : i32
      %scan3A_105 = arith.constant 128 : i32
      %scan3A_106 = arith.addi %scan3A_104, %scan3A_105 : i32
      %scan3A_107 = arith.constant 1 : i32
      scf.for %scan3A_123 = %scan3A_104 to %scan3A_106 step %scan3A_107  : i32 {
        %get3A = arith.index_cast %scan3A_123 : i32 to index
        %get3A_124 = arith.constant 0 : index
        %get3A_125 = tpu.vector_load %arg10[%get3A, %get3A_124] {strides = array<i32>} : memref<128x64xf32, #tpu.memory_space<vmem>>, vector<16xf32>,
        %get3A_126 = arith.index_cast %scan3A_123 : i32 to index
        %get3A_127 = arith.constant 0 : index
        %get3A_128 = tpu.vector_load %arg12[%get3A_126, %get3A_127] {strides = array<i32>} : memref<128x64xf32, #tpu.memory_space<vmem>>, vector<16xf32>,
        %mul3A_129 = arith.constant 8.000000e+00 : f32
        %mul3A_130 = vector.broadcast %mul3A_129 : f32 to vector<16xf32>
        %mul3A_131 = arith.mulf %get3A_125, %mul3A_130 : vector<16xf32>
        %add3A_132 = arith.addf %mul3A_131, %get3A_128 : vector<16xf32>
        %swap3A = arith.index_cast %scan3A_123 : i32 to index
        %swap3A_133 = arith.constant 0 : index
        %swap3A_134 = tpu.vector_load %arg14[%swap3A, %swap3A_133] {strides = array<i32>} : memref<128x64xf32, #tpu.memory_space<vmem>>, vector<16xf32>,
        tpu.vector_store %arg14[%swap3A, %swap3A_133], %add3A_132 {strides = array<i32>} : memref<128x64xf32, #tpu.memory_space<vmem>>, vector<16xf32>,
        %get3A_135 = arith.index_cast %scan3A_123 : i32 to index
        %get3A_136 = arith.constant 16 : index
        %get3A_137 = tpu.vector_load %arg10[%get3A_135, %get3A_136] {strides = array<i32>} : memref<128x64xf32, #tpu.memory_space<vmem>>, vector<16xf32>,
        %get3A_138 = arith.index_cast %scan3A_123 : i32 to index
        %get3A_139 = arith.constant 16 : index
        %get3A_140 = tpu.vector_load %arg12[%get3A_138, %get3A_139] {strides = array<i32>} : memref<128x64xf32, #tpu.memory_space<vmem>>, vector<16xf32>,
        %mul3A_141 = arith.constant 8.000000e+00 : f32
        %mul3A_142 = vector.broadcast %mul3A_141 : f32 to vector<16xf32>
        %mul3A_143 = arith.mulf %get3A_137, %mul3A_142 : vector<16xf32>
        %add3A_144 = arith.addf %mul3A_143, %get3A_140 : vector<16xf32>
        %swap3A_145 = arith.index_cast %scan3A_123 : i32 to index
        %swap3A_146 = arith.constant 16 : index
        %swap3A_147 = tpu.vector_load %arg14[%swap3A_145, %swap3A_146] {strides = array<i32>} : memref<128x64xf32, #tpu.memory_space<vmem>>, vector<16xf32>,
        tpu.vector_store %arg14[%swap3A_145, %swap3A_146], %add3A_144 {strides = array<i32>} : memref<128x64xf32, #tpu.memory_space<vmem>>, vector<16xf32>,
        %get3A_148 = arith.index_cast %scan3A_123 : i32 to index
        %get3A_149 = arith.constant 32 : index
        %get3A_150 = tpu.vector_load %arg10[%get3A_148, %get3A_149] {strides = array<i32>} : memref<128x64xf32, #tpu.memory_space<vmem>>, vector<16xf32>,
        %get3A_151 = arith.index_cast %scan3A_123 : i32 to index
        %get3A_152 = arith.constant 32 : index
        %get3A_153 = tpu.vector_load %arg12[%get3A_151, %get3A_152] {strides = array<i32>} : memref<128x64xf32, #tpu.memory_space<vmem>>, vector<16xf32>,
        %mul3A_154 = arith.constant 8.000000e+00 : f32
        %mul3A_155 = vector.broadcast %mul3A_154 : f32 to vector<16xf32>
        %mul3A_156 = arith.mulf %get3A_150, %mul3A_155 : vector<16xf32>
        %add3A_157 = arith.addf %mul3A_156, %get3A_153 : vector<16xf32>
        %swap3A_158 = arith.index_cast %scan3A_123 : i32 to index
        %swap3A_159 = arith.constant 32 : index
        %swap3A_160 = tpu.vector_load %arg14[%swap3A_158, %swap3A_159] {strides = array<i32>} : memref<128x64xf32, #tpu.memory_space<vmem>>, vector<16xf32>,
        tpu.vector_store %arg14[%swap3A_158, %swap3A_159], %add3A_157 {strides = array<i32>} : memref<128x64xf32, #tpu.memory_space<vmem>>, vector<16xf32>,
        %get3A_161 = arith.index_cast %scan3A_123 : i32 to index
        %get3A_162 = arith.constant 48 : index
        %get3A_163 = tpu.vector_load %arg10[%get3A_161, %get3A_162] {strides = array<i32>} : memref<128x64xf32, #tpu.memory_space<vmem>>, vector<16xf32>,
        %get3A_164 = arith.index_cast %scan3A_123 : i32 to index
        %get3A_165 = arith.constant 48 : index
        %get3A_166 = tpu.vector_load %arg12[%get3A_164, %get3A_165] {strides = array<i32>} : memref<128x64xf32, #tpu.memory_space<vmem>>, vector<16xf32>,
        %mul3A_167 = arith.constant 8.000000e+00 : f32
        %mul3A_168 = vector.broadcast %mul3A_167 : f32 to vector<16xf32>
        %mul3A_169 = arith.mulf %get3A_163, %mul3A_168 : vector<16xf32>
        %add3A_170 = arith.addf %mul3A_169, %get3A_166 : vector<16xf32>
        %swap3A_171 = arith.index_cast %scan3A_123 : i32 to index
        %swap3A_172 = arith.constant 48 : index
        %swap3A_173 = tpu.vector_load %arg14[%swap3A_171, %swap3A_172] {strides = array<i32>} : memref<128x64xf32, #tpu.memory_space<vmem>>, vector<16xf32>,
        tpu.vector_store %arg14[%swap3A_171, %swap3A_172], %add3A_170 {strides = array<i32>} : memref<128x64xf32, #tpu.memory_space<vmem>>, vector<16xf32>,
      }
      %scan3A_108 = arith.constant 128 : i32
      %add3A_109 = arith.constant 2 : i32
      %add3A_110 = arith.addi %add3A_85, %add3A_109 : i32
      %lt3A_111 = arith.constant 50 : i32
      %lt3A_112 = arith.cmpi slt, %add3A_110, %lt3A_111 : i32
      %convert_element_type3A_113 = arith.extui %lt3A_112 : i1 to i32
      %cond3A_114 = arith.constant 0 : i32
      %cond3A_115 = arith.cmpi ne, %convert_element_type3A_113, %cond3A_114 : i32
      scf.if %cond3A_115 {
        %add3A_123 = arith.constant 2 : i32
        %add3A_124 = arith.addi %add3A_85, %add3A_123 : i32
        %mul3A_125 = arith.constant 128 : i32
        %mul3A_126 = arith.muli %add3A_124, %mul3A_125 : i32
        %dma_start3A_127 = tpu.memref_slice %arg7[%mul3A_126] : memref<6400xi32, #tpu.memory_space<vmem>> -> memref<128xi32, #tpu.memory_space<vmem>>
        %dma_start3A_128 = arith.constant 0 : i32
        %dma_start3A_129 = arith.constant 0 : i32
        %dma_start3A_130 = tpu.memref_slice %arg4[%dma_start3A_128, %dma_start3A_129] : memref<1000000x64xf32, #tpu.memory_space<hbm>> -> memref<1000000x64xf32, #tpu.memory_space<hbm>>
        tpu.enqueue_indirect_dma source(%dma_start3A_130 : memref<1000000x64xf32, #tpu.memory_space<hbm>>) target(%arg10 : memref<128x64xf32, #tpu.memory_space<vmem>>) offsets(%dma_start3A_127 : memref<128xi32, #tpu.memory_space<vmem>>) semaphore(%arg16 : memref<!tpu.dma_semaphore, #tpu.memory_space<semaphore_mem>>)
        %mul3A_131 = arith.constant 128 : i32
        %mul3A_132 = arith.muli %add3A_124, %mul3A_131 : i32
        %dma_start3A_133 = tpu.memref_slice %arg8[%mul3A_132] : memref<6400xi32, #tpu.memory_space<vmem>> -> memref<128xi32, #tpu.memory_space<vmem>>
        %dma_start3A_134 = arith.constant 0 : i32
        %dma_start3A_135 = arith.constant 0 : i32
        %dma_start3A_136 = tpu.memref_slice %arg5[%dma_start3A_134, %dma_start3A_135] : memref<600x64xf32, #tpu.memory_space<hbm>> -> memref<600x64xf32, #tpu.memory_space<hbm>>
        tpu.enqueue_indirect_dma source(%dma_start3A_136 : memref<600x64xf32, #tpu.memory_space<hbm>>) target(%arg12 : memref<128x64xf32, #tpu.memory_space<vmem>>) offsets(%dma_start3A_133 : memref<128xi32, #tpu.memory_space<vmem>>) semaphore(%arg16 : memref<!tpu.dma_semaphore, #tpu.memory_space<semaphore_mem>>)
      } else {
      }
      %mul3A_116 = arith.constant 128 : i32
      %mul3A_117 = arith.muli %add3A_85, %mul3A_116 : i32
      %add3A_118 = arith.addi %mul3A_2, %mul3A_117 : i32
      %dma_start3A_119 = arith.constant 0 : i32
      %dma_start3A_120 = tpu.memref_slice %arg6[%add3A_118, %dma_start3A_119] : memref<204800x64xf32, #tpu.memory_space<hbm>> -> memref<128x64xf32, #tpu.memory_space<hbm>>
      %dma_start3A_121 = arith.constant 0 : i32
      %dma_start3A_122 = tpu.memref_slice %arg6[%add3A_118, %dma_start3A_121] : memref<204800x64xf32, #tpu.memory_space<hbm>> -> memref<128x64xf32, #tpu.memory_space<hbm>>
      tpu.enqueue_dma source(%arg14 : memref<128x64xf32, #tpu.memory_space<vmem>>) target(%dma_start3A_122 : memref<128x64xf32, #tpu.memory_space<hbm>>) target_semaphore(%arg18 : memref<!tpu.dma_semaphore, #tpu.memory_space<semaphore_mem>>)
    }
    %scan3A_32 = arith.constant 25 : i32
    %add3A_33 = arith.constant 6144 : i32
    %add3A_34 = arith.addi %mul3A_2, %add3A_33 : i32
    %dma_wait3A = arith.constant 0 : i32
    %dma_wait3A_35 = tpu.memref_slice %arg6[%add3A_34, %dma_wait3A] : memref<204800x64xf32, #tpu.memory_space<hbm>> -> memref<128x64xf32, #tpu.memory_space<hbm>>
    %dma_wait3A_36 = arith.constant 0 : i32
    %dma_wait3A_37 = tpu.memref_slice %arg6[%add3A_34, %dma_wait3A_36] : memref<204800x64xf32, #tpu.memory_space<hbm>> -> memref<128x64xf32, #tpu.memory_space<hbm>>
    tpu.wait_dma2 semaphore(%arg17 : memref<!tpu.dma_semaphore, #tpu.memory_space<semaphore_mem>>) src(%arg13 : memref<128x64xf32, #tpu.memory_space<vmem>>) dst(%dma_wait3A_37 : memref<128x64xf32, #tpu.memory_space<hbm>>)
    %add3A_38 = arith.constant 6272 : i32
    %add3A_39 = arith.addi %mul3A_2, %add3A_38 : i32
    %dma_wait3A_40 = arith.constant 0 : i32
    %dma_wait3A_41 = tpu.memref_slice %arg6[%add3A_39, %dma_wait3A_40] : memref<204800x64xf32, #tpu.memory_space<hbm>> -> memref<128x64xf32, #tpu.memory_space<hbm>>
    %dma_wait3A_42 = arith.constant 0 : i32
    %dma_wait3A_43 = tpu.memref_slice %arg6[%add3A_39, %dma_wait3A_42] : memref<204800x64xf32, #tpu.memory_space<hbm>> -> memref<128x64xf32, #tpu.memory_space<hbm>>
    tpu.wait_dma2 semaphore(%arg18 : memref<!tpu.dma_semaphore, #tpu.memory_space<semaphore_mem>>) src(%arg14 : memref<128x64xf32, #tpu.memory_space<vmem>>) dst(%dma_wait3A_43 : memref<128x64xf32, #tpu.memory_space<hbm>>)
    return
  }
}

</mosaic_0001>

<sc_bundles>
// kernel: kernel.3.cloned.1.call-start
scs
__scs_entry_jumppad:
0x0: {  	(pc) =	sbr.rel $0x88, $3  }
0x1: {  	(tag) =	ssettag $0x0;
	lr =	simm.s32 $0x1  }
0x2: {  	[smem:$0x3F9D] =	sst lr;
	_ =	strace $0xD0000000  }
0x3: {  	_ = 	snop  }
0x4: {  	_ = 	snop  }
0x5: {  	_ = 	snop  }
0x6: {  	_ = 	snop  }
0x7: {  	_ = 	snop  }
__scs_overlays_trampoline_lowered:
0x8: {  	[smem:$0x3FAC] =	sst s0  }
0x9: {  	[smem:$0x3FAD] =	sst s1  }
0xa: {  	[smem:$0x3FAE] =	sst s2  }
0xb: {  	[smem:$0x3FAF] =	sst s3  }
0xc: {  	[smem:$0x3FB0] =	sst s4  }
0xd: {  	[smem:$0x3FB1] =	sst s5  }
0xe: {  	[smem:$0x3FB2] =	sst s6  }
0xf: {  	[smem:$0x3FB3] =	sst s7  }
0x10: {  	[smem:$0x3FB4] =	sst s8  }
0x11: {  	[smem:$0x3FB5] =	sst s9;
	s0 =	simm.s32 @!p0 $0x0  }
0x12: {  	s1 =	sld [smem:$0x3F9B];
	s0 =	simm.s32 @p0 $0x1  }
0x13: {  	[smem:$0x3FB6] =	sst s0;
	s0 =	simm.s32 @!p1 $0x0  }
0x14: {  	s2 =	sld [smem:$0x3F9A];
	s0 =	simm.s32 @p1 $0x1  }
0x15: {  	[smem:$0x3FB7] =	sst s0;
	s0 =	simm.s32 @!p2 $0x0  }
0x16: {  	s3 =	sld [smem:$0x3FDB];
	s0 =	simm.s32 @p2 $0x1  }
0x17: {  	s4 =	simm.s32 $0x1BF5;
	[smem:$0x3FB9] =	sst s0  }
0x18: {  	s0 =	sld [smem:$0x3F9C];
	_ =	swait.ge [sflag:s4], $0x0  }
0x19: {  	s7 =	sld [smem:$0x3F9D]  }
0x1a: {  	s8 =	sadd.s32 $0xFFFFE003, lr  }
0x1b: {  	s9 =	sadd.s32 $0xFFFFFEF7, lr;
	s5 =	simm.s32 $0xFFFFFFFF;
	p2 =	slt.u32 s8, $0xFFFFF086  }
0x1c: {  	p1 =	slt.u32 s9, $0xF7A;
	s5 =	simm.s32 @!p2 $0x0  }
0x1d: {  	s5 =	simm.s32 @p1 $0x1;
	p0 =	seq.s32 s7, s2  }
0x1e: {  	s7 =	smul.u32 @!p0 $0xF7A, s2;
	p2 =	seq.s32 @!p0 s5, $0x0  }
0x1f: {  	s9 =	smul.u32 $0xF7A, s1;
	s8 =	simm.s32 @!p0 $0x1BF5;
	p2 =	por !p2, p0  }
0x20: {  	[sflag:s8] =	ssyncset.s32 @!p0 $0xFFFFF086;
	s6 =	sadd.s32 @!p0 s3, s7;
	s7 =	simm.s32 @!p0 $0x108  }
0x21: {  	s3 =	sadd.s32 s3, s9;
	s6 =	sadd.s32 @!p0 $0x88, s6;
	s7 =	simm.s32 @p2 $0x1082  }
0x22: {  	[simem:s7], [sflag:s8] =	dma.local @!p0 [hbm:s6], $0xF7A  }
0x23: {  	s9 =	sor.u32 $0xD0000000, s2;
	s6 =	simm.s32 $0x108;
	_ =	swait.ge @!p0 [sflag:s8], $0x0  }
0x24: {  	s3 =	sadd.s32 $0x88, s3;
	s6 =	simm.s32 @!p1 $0x1082;
	[sflag:s4] =	ssyncset.s32 $0xFFFFF086  }
0x25: {  	[simem:s6], [sflag:s4] =	dma.local [hbm:s3], $0xF7A  }
0x26: {  	[smem:$0x3F9D] =	sst s1;
	(tag) =	ssettag s2;
	_ =	strace s9  }
0x27: {  	s1 =	sld [smem:$0x3FAD]  }
0x28: {  	s2 =	sld [smem:$0x3FAE]  }
0x29: {  	s4 =	sld [smem:$0x3FB0]  }
0x2a: {  	p0 =	seq.s32 s5, $0x0;
	s5 =	sld [smem:$0x3FB1]  }
0x2b: {  	s6 =	sld [smem:$0x3FB2]  }
0x2c: {  	s7 =	sld [smem:$0x3FB3]  }
0x2d: {  	s3 =	simm.s32 $0x108;
	s8 =	sld [smem:$0x3FB4]  }
0x2e: {  	s3 =	simm.s32 @!p0 $0x1082;
	s9 =	sld [smem:$0x3FB5]  }
0x2f: {  	lr =	sadd.s32 s0, s3;
	s0 =	sld [smem:$0x3FAC]  }
0x30: {  	s3 =	sld [smem:$0x3FAF]  }
0x31: {  	[smem:$0x3FB8] =	sst s10  }
0x32: {  	s10 =	sld [smem:$0x3FB6];
	_ =	sdelay $0x3  }
0x33: {  	p0 =	seq.s32 s10, $0x1;
	s10 =	sld [smem:$0x3FB8];
	_ =	sdelay $0x3  }
0x34: {  	[smem:$0x3FB8] =	sst s10  }
0x35: {  	s10 =	sld [smem:$0x3FB7];
	_ =	sdelay $0x3  }
0x36: {  	p1 =	seq.s32 s10, $0x1;
	s10 =	sld [smem:$0x3FB8];
	_ =	sdelay $0x3  }
0x37: {  	[smem:$0x3FB8] =	sst s10  }
0x38: {  	s10 =	sld [smem:$0x3FB9]  }
0x39: {  	_ = 	snop;
	(pc) =	sbr.ind lr, $3  }
0x3a: {  	_ = 	snop  }
0x3b: {  	_ = 	snop  }
0x3c: {  	p2 =	seq.s32 s10, $0x1;
	s10 =	sld [smem:$0x3FB8]  }
0x3d: {  	_ =	shalt  }
0x3e: {  	_ =	shalt  }
0x3f: {  	_ =	shalt  }
0x40: {  	_ =	shalt  }
0x41: {  	_ =	shalt  }
0x42: {  	_ =	shalt  }
0x43: {  	_ =	shalt  }
0x44: {  	_ =	shalt  }
0x45: {  	_ =	shalt  }
0x46: {  	_ =	shalt  }
0x47: {  	_ =	shalt  }
0x48: {  	_ =	shalt  }
0x49: {  	_ =	shalt  }
0x4a: {  	_ =	shalt  }
0x4b: {  	_ =	shalt  }
0x4c: {  	_ =	shalt  }
0x4d: {  	_ =	shalt  }
0x4e: {  	_ =	shalt  }
0x4f: {  	_ =	shalt  }
0x50: {  	_ =	shalt  }
0x51: {  	_ =	shalt  }
0x52: {  	_ =	shalt  }
0x53: {  	_ =	shalt  }
0x54: {  	_ =	shalt  }
0x55: {  	_ =	shalt  }
0x56: {  	_ =	shalt  }
0x57: {  	_ =	shalt  }
0x58: {  	_ =	shalt  }
0x59: {  	_ =	shalt  }
0x5a: {  	_ =	shalt  }
0x5b: {  	_ =	shalt  }
0x5c: {  	_ =	shalt  }
0x5d: {  	_ =	shalt  }
0x5e: {  	_ =	shalt  }
0x5f: {  	_ =	shalt  }
0x60: {  	_ =	shalt  }
0x61: {  	_ =	shalt  }
0x62: {  	_ =	shalt  }
0x63: {  	_ =	shalt  }
0x64: {  	_ =	shalt  }
0x65: {  	_ =	shalt  }
0x66: {  	_ =	shalt  }
0x67: {  	_ =	shalt  }
0x68: {  	_ =	shalt  }
0x69: {  	_ =	shalt  }
0x6a: {  	_ =	shalt  }
0x6b: {  	_ =	shalt  }
0x6c: {  	_ =	shalt  }
0x6d: {  	_ =	shalt  }
0x6e: {  	_ =	shalt  }
0x6f: {  	_ =	shalt  }
0x70: {  	_ =	shalt  }
0x71: {  	_ =	shalt  }
0x72: {  	_ =	shalt  }
0x73: {  	_ =	shalt  }
0x74: {  	_ =	shalt  }
0x75: {  	_ =	shalt  }
0x76: {  	_ =	shalt  }
0x77: {  	_ =	shalt  }
0x78: {  	_ =	shalt  }
0x79: {  	_ =	shalt  }
0x7a: {  	_ =	shalt  }
0x7b: {  	_ =	shalt  }
0x7c: {  	_ =	shalt  }
0x7d: {  	_ =	shalt  }
0x7e: {  	_ =	shalt  }
0x7f: {  	_ =	shalt  }
0x80: {  	_ =	shalt  }
0x81: {  	_ =	shalt  }
0x82: {  	_ =	shalt  }
0x83: {  	_ =	shalt  }
0x84: {  	_ =	shalt  }
0x85: {  	_ =	shalt  }
0x86: {  	_ =	shalt  }
0x87: {  	_ =	shalt  }
.Lfunc_end0:
.L_simem_size_0:
called_computation.1_lowered:
.L_overlay_start_0:
0x88: {  	s2 =	sld [smem:$0x3FD9]  }
0x89: {  	s3 =	sld [smem:$0x3FFE];
	_ =	sdelay $0x1  }
0x8a: {  	s1 =	srdreg.scid  }
0x8b: {  	s0 =	sand.u32 $0x1, s1  }
0x8c: {  	s17 =	sshll.u32 s0, $0xA;
	s2 =	sadd.s32 s3, s2  }
0x8d: {  	s2 =	sadd.s32 s2, s17  }
0x8e: {  	[smem:$0x3FC4] =	sst s2  }
0x8f: {  	_ = 	snop  }
0x90: {  	s2 =	sld [smem:$0x3FD0];
	(tm) =	ssettm $0x1  }
0x91: {  	s18 =	sld [smem:$0x3FFB];
	_ =	sdelay $0x3  }
0x92: {  	_ =	strace s18  }
0x93: {  	s3 =	sld [smem:$0x3FFC];
	_ =	sdelay $0x3  }
0x94: {  	_ =	strace s3  }
0x95: {  	s3 =	sld [smem:$0x3FFD];
	_ =	sdelay $0x3  }
0x96: {  	_ =	strace s3  }
0x97: {  	_ =	strace $0x8FFFFFFF  }
0x98: {  	s19 =	sld [smem:$0x3FDB];
	_ =	sdelay $0x1  }
0x99: {  	s4 =	simm.s32 $_scs_section_size  }
0x9a: {  	s5 =	simm.s32 $_size__tile_overlayer_lowered;
	s6 =	simm.s32 $_tile_overlayer_lowered  }
0x9b: {  	s22 =	simm.s32 $0x1BFF;
	s21 =	sshll.u32 s6, $0x1;
	s3 =	sadd.s32 s4, s19  }
0x9c: {  	s7 =	simm.s32 $0x0;
	s20 =	sshll.u32 s5, $0x1;
	s5 =	sadd.s32 s21, s3  }
0x9d: {  	[timem:s7], [sflag:s22] =	dma.local [hbm:s5], s20  }
0x9e: {  	_ =	swait.ge [sflag:s22], s20  }
0x9f: {  	s4 =	ssub.s32 $0x0, s20;
	[sflag:s22] =	ssyncset.done $0x0  }
0xa0: {  	[sflag:s22] =	ssyncadd.s32 s4;
	_ =	sdelay $0x1  }
0xa1: {  	s23 =	simm.s32 $0x1B8B  }
0xa2: {  	_ =	swait.ge [sflag:s23], $0x1  }
0xa3: {  	[sflag:s23] =	ssyncset.done $0x0  }
0xa4: {  	s25 =	simm.s32 $0x1B8E;
	s24 =	sld [smem:$0x3FFE];
	[sflag:s23] =	ssyncadd.s32 $0xFFFFFFFF  }
0xa5: {  	s26 =	simm.s32 $execute0_lowered;
	[smem:$0x3FD2] =	sst s25  }
0xa6: {  	s5 =	sshll.u32 s26, $0x1;
	_ =	strace $0x80000046;
	[dreg:$0x1] =	wrdreg $0xFFFFFFFF  }
0xa7: {  	s28 =	simm.s32 $_size_execute0_lowered;
	s3 =	sadd.s32 s3, s5;
	[dreg:$0x0] =	wrdreg $0x0  }
0xa8: {  	s5 =	sshll.u32 s28, $0x1;
	[dreg:$0x2] =	wrdreg s3  }
0xa9: {  	[dreg:$0x3] =	wrdreg s5  }
0xaa: {  	[dreg:$0x4] =	wrdreg $0xC0  }
0xab: {  	_ =	task [dreg:s7], $0x5FFFF  }
0xac: {  	[dreg:$0x1] =	wrdreg $0xFFFFFFFF  }
0xad: {  	[dreg:$0x0] =	wrdreg $0x60  }
0xae: {  	[dreg:$0x2] =	wrdreg s24  }
0xaf: {  	[dreg:$0x3] =	wrdreg s2  }
0xb0: {  	[dreg:$0x4] =	wrdreg $0x9  }
0xb1: {  	_ =	task.clear_ibuf [dreg:s7], $0x5FFFF;
	_ =	strace $0x90000046  }
0xb2: {  	s29 =	simm.s32 $0x9;
	_ =	strace $0x80000048  }
0xb3: {  	_ =	swait.ge [sflag:s29], $0x1  }
0xb4: {  	[sflag:s29] =	ssyncadd.s32 $0xFFFFFFFF  }
0xb5: {  	_ =	strace $0x90000048  }
0xb6: {  	_ =	sfence  }
0xb7: {  	s30 =	sld [smem:$0x0];
	_ =	sdelay $0x2  }
0xb8: {  	s31 =	sshll.u32 s1, $0xD;
	s1 =	sshrl.u32 s1, $0x2  }
0xb9: {  	s3 =	sand.u32 $0x4000, s31;
	s1 =	sadd.s32 s1, s30  }
0xba: {  	s0 =	sor.u32 s3, s0;
	s1 =	sshll.u32 s1, $0x11  }
0xbb: {  	s0 =	sor.u32 s1, s0  }
0xbc: {  	s0 =	sadd.s32 $0x8F2B, s0  }
0xbd: {  	[sflag:s0] =	ssyncadd.remote.s32 $0x1  }
0xbe: {  	_ =	sfence.sel $0xFFFF  }
0xbf: {  	[dreg:$0x0] =	wrdreg $0xFFFFFFFF;
	(pc) =	sbr.abs _section_cstart, $3  }
0xc0: {  	[dreg:$0x1] =	wrdreg $0xFFFFFFFF  }
0xc1: {  	_ =	task.clear_ibuf [dreg:s7], $0x2FFFF;
	_ =	strace $0x9FFFFFFF  }
0xc2: {  	(tm) =	ssettm $0x7FFFFFFF  }
0xc3: {  	_ =	shalt  }
tec
execute0_lowered:
.L_overlay_start_1:
0x0: {  	(tag) =	ssettag $0x1  }
0x1: {  	s1 =	srdreg.scid  }
0x2: {  	s0 =	stileid.u32;
	s5 =	rddreg [dreg:$0x0]  }
0x3: {  	s2 =	rddreg [dreg:$0x1];
	s3 =	simm.s32 $0x0;
	s11 =	simm.s32 $0x5  }
0x4: {  	s12 =	simm.s32 $0x80;
	s13 =	simm.s32 $0x3200;
	s14 =	simm.s32 $0x1900  }
0x5: {  	s15 =	simm.s32 $0x7200;
	s16 =	simm.s32 $0x5200;
	s17 =	simm.s32 $0x1980  }
0x6: {  	s18 =	simm.s32 $0x9200;
	s19 =	simm.s32 $0x1;
	s20 =	simm.s32 $0xB200  }
0x7: {  	s21 =	simm.s32 $0x2;
	s22 =	simm.s32 $0xD200;
	s23 =	simm.s32 $0x3  }
0x8: {  	s24 =	simm.s32 $0x4;
	s4 =	sand.u32 $0x1, s1;
	s30 =	sshll.u32 s0, $0x1  }
0x9: {  	s25 =	simm.s32 $0x0;
	s1 =	rddreg [dreg:$0x2];
	s8 =	sor.u32 s4, s30  }
0xa: {  	[smem:$0x7FF] =	sst s3;
	s31 =	ssub.s32 $0x2, s4;
	s9 =	smul.u32 $0x1900, s8  }
0xb: {  	_ =	strace $0x80000047;
	s4 =	sadd.s32 $0xF43E00, s5;
	s10 =	sshrl.u32 s31, $0x1  }
0xc: {  	s8 =	smul.u32 $0x64000, s8;
	s10 =	ssub.s32 s31, s10;
	s6 =	sshrl.u32 s9, $0x3  }
0xd: {  	s9 =	sor.u32 $0x80, s9;
	s10 =	smax.u32 s10, $0x1;
	s7 =	sadd.s32 s6, s5  }
0xe: {  	v0 =	vlaneseq.u32;
	s5 =	sadd.s32 $0x600, s5;
	s6 =	sadd.s32 $0x7E00, s7;
	s7 =	sadd.s32 $0x1A00, s7  }
.LBB2_1:
0xf: {  	[tilespmem:s3], [sflag:$0x5] =	stream.linear.gather [hbm4b:s6+s3], $0x1900, $0x38;
	[tilespmem:$0xF200] =	vst v63  }
0x10: {  	_ =	swait.ge [sflag:s11], $0x1900  }
0x11: {  	[sflag:s11] =	ssyncset.done $0x0  }
0x12: {  	[sflag:s11] =	ssyncadd.s32 $0xFFFFE700  }
0x13: {  	[tilespmem:s14], [sflag:$0x5] =	stream.linear.gather [hbm4b:s7+s3], $0x1900, $0x38;
	[tilespmem:$0xF200] =	vst v63  }
0x14: {  	_ =	swait.ge [sflag:s11], $0x1900  }
0x15: {  	[sflag:s11] =	ssyncset.done $0x0  }
0x16: {  	[sflag:s11] =	ssyncadd.s32 $0xFFFFE700  }
0x17: {  	v1 =	vor.u32 s3, v0;
	s28 =	simm.s32 $0x10;
	s26 =	simm.s32 $0x1900;
	v2 =	vld [tilespmem:s14+$0x0]  }
.LBB2_2:
0x18: {  	p0 =	sne.s32 s28, $0x18F0;
	v3 =	vmulhi.u32 $0x51EB851F, v1;
	_ =	sdelay $0x1  }
0x19: {  	v3 =	vshrl.u32 v3, $0x6  }
0x1a: {  	v3 =	vmul.u32 $0xC8, v3  }
.Ltmp0:
0x1b: {  	v2 =	vmul.u32 $0xC8, v2;
	(pc) =	sbr.rel @p0 .LBB2_2-.Ltmp0, $4  }
0x1c: {  	v1 =	vsub.s32 v1, v3  }
0x1d: {  	v1 =	vadd.s32 v1, v2  }
0x1e: {  	[tilespmem:s26+$0x0] =	vst v1;
	s26 =	sadd.s32 $0x10, s26  }
0x1f: {  	v1 =	vor.u32 s28, v0;
	s28 =	sadd.s32 $0x10, s28;
	v2 =	vld [tilespmem:s26+$0x0]  }
0x20: {  	v3 =	vmulhi.u32 $0x51EB851F, v1;
	_ =	sdelay $0x1  }
0x21: {  	v3 =	vshrl.u32 v3, $0x6  }
0x22: {  	v3 =	vmul.u32 $0xC8, v3  }
0x23: {  	v2 =	vmul.u32 $0xC8, v2  }
0x24: {  	v1 =	vsub.s32 v1, v3  }
0x25: {  	v1 =	vadd.s32 v1, v2  }
0x26: {  	[tilespmem:s26+$0x0] =	vst v1;
	s26 =	simm.s32 $0x0  }
0x27: {  	[tilespmem:s13], [sflag:$0x1] =	stream.indirect.gather [hbm4b:s4+s12], $0x40, s26, s12, $0xb8;
	[tilespmem:$0xF200] =	vst v63  }
0x28: {  	_ = 	snop  }
0x29: {  	[tilespmem:s15], [sflag:$0x1] =	stream.indirect.gather [hbm4b:s5+s12], $0x40, s14, s12, $0xb8;
	[tilespmem:$0xF200] =	vst v63  }
0x2a: {  	_ = 	snop  }
0x2b: {  	[tilespmem:s16], [sflag:$0x2] =	stream.indirect.gather [hbm4b:s4+s12], $0x40, s12, s12, $0xb8;
	[tilespmem:$0xF200] =	vst v63  }
0x2c: {  	_ = 	snop  }
0x2d: {  	[tilespmem:s18], [sflag:$0x2] =	stream.indirect.gather [hbm4b:s5+s12], $0x40, s17, s12, $0xb8;
	[tilespmem:$0xF200] =	vst v63  }
.LBB2_4:
0x2e: {  	_ =	swait.ge [sflag:s19], $0x2000  }
0x2f: {  	[sflag:s19] =	ssyncset.done $0x0  }
0x30: {  	[sflag:s19] =	ssyncadd.s32 $0xFFFFE000  }
0x31: {  	_ =	swait.ge [sflag:s19], $0x2000  }
0x32: {  	p1 =	seq.s32 s26, $0x0;
	[sflag:s19] =	ssyncset.done $0x0  }
0x33: {  	s28 =	simm.s32 @!p1 $0x3;
	[sflag:s19] =	ssyncadd.s32 $0xFFFFE000  }
0x34: {  	_ =	swait.ge @!p1 [sflag:s28], $0x2000  }
0x35: {  	[sflag:s28] =	ssyncset.done @!p1 $0x0  }
0x36: {  	s30 =	simm.s32 $0x0;
	[sflag:s28] =	ssyncadd.s32 @!p1 $0xFFFFE000  }
0x37: {  	v4 =	vld [tilespmem:s30+$0x3230]  }
0x38: {  	v5 =	vld [tilespmem:s30+$0x3200]  }
0x39: {  	v7 =	vld [tilespmem:s30+$0x7230]  }
0x3a: {  	v2 =	vld [tilespmem:s30+$0x3210]  }
0x3b: {  	v1 =	vld [tilespmem:s30+$0x3220]  }
0x3c: {  	v3 =	vld [tilespmem:s30+$0x7200];
	v8 =	vmul.f32 $8.000000000e+00, v4  }
0x3d: {  	v4 =	vld [tilespmem:s30+$0x7210]  }
0x3e: {  	s29 =	simm.s32 $0x40;
	s31 =	simm.s32 $0x200;
	s28 =	sshll.u32 s26, $0x8;
	v6 =	vmul.f32 $8.000000000e+00, v5;
	v5 =	vld [tilespmem:s30+$0x7220];
	v7 =	vadd.f32 v7, v8  }
.LBB2_5:
0x3f: {  	p0 =	sne.s32 s31, $0x7F00;
	v8 =	vld [tilespmem:s29+$0x3230];
	v9 =	vmul.f32 $8.000000000e+00, v2  }
0x40: {  	v10 =	vld [tilespmem:s29+$0x3200];
	v11 =	vmul.f32 $8.000000000e+00, v1;
	[tilespmem:s30+$0xB230] =	vst v7  }
0x41: {  	v7 =	vld [tilespmem:s29+$0x7230];
	v3 =	vadd.f32 v3, v6  }
.Ltmp1:
0x42: {  	v2 =	vld [tilespmem:s29+$0x3210];
	v4 =	vadd.f32 v4, v9;
	(pc) =	sbr.rel @p0 .LBB2_5-.Ltmp1, $4  }
0x43: {  	v1 =	vld [tilespmem:s29+$0x3220];
	[tilespmem:s30+$0xB200] =	vst v3;
	v5 =	vadd.f32 v5, v11  }
0x44: {  	v3 =	vld [tilespmem:s29+$0x7200];
	v8 =	vmul.f32 $8.000000000e+00, v8;
	[tilespmem:s30+$0xB210] =	vst v4  }
0x45: {  	v6 =	vmul.f32 $8.000000000e+00, v10;
	v4 =	vld [tilespmem:s29+$0x7210];
	[tilespmem:s30+$0xB220] =	vst v5;
	s30 =	smov.u32 s29  }
0x46: {  	s29 =	sshra.s32 s31, $0x2;
	s31 =	sadd.s32 $0x100, s31;
	v5 =	vld [tilespmem:s30+$0x7220];
	v7 =	vadd.f32 v7, v8  }
0x47: {  	v8 =	vld [tilespmem:s29+$0x3230]  }
0x48: {  	v9 =	vld [tilespmem:s29+$0x3200];
	v2 =	vmul.f32 $8.000000000e+00, v2;
	[tilespmem:s30+$0xB230] =	vst v7  }
0x49: {  	v1 =	vmul.f32 $8.000000000e+00, v1;
	v7 =	vld [tilespmem:s29+$0x7230];
	v3 =	vadd.f32 v3, v6  }
0x4a: {  	v6 =	vld [tilespmem:s29+$0x3210];
	v2 =	vadd.f32 v4, v2  }
0x4b: {  	v10 =	vld [tilespmem:s29+$0x3220];
	[tilespmem:s30+$0xB200] =	vst v3;
	v1 =	vadd.f32 v5, v1  }
0x4c: {  	v3 =	vld [tilespmem:s29+$0x7200];
	[tilespmem:s30+$0xB210] =	vst v2  }
0x4d: {  	v2 =	vld [tilespmem:s29+$0x7210];
	[tilespmem:s30+$0xB220] =	vst v1  }
0x4e: {  	v1 =	vmul.f32 $8.000000000e+00, v8;
	v4 =	vld [tilespmem:s29+$0x7220]  }
0x4f: {  	v5 =	vmul.f32 $8.000000000e+00, v9  }
0x50: {  	v6 =	vmul.f32 $8.000000000e+00, v6;
	v1 =	vadd.f32 v7, v1  }
0x51: {  	v7 =	vmul.f32 $8.000000000e+00, v10;
	v3 =	vadd.f32 v3, v5  }
0x52: {  	[tilespmem:s29+$0xB230] =	vst v1;
	v1 =	vadd.f32 v2, v6  }
0x53: {  	[tilespmem:s29+$0xB200] =	vst v3;
	v2 =	vadd.f32 v4, v7  }
0x54: {  	p0 =	seq.s32 s26, $0x18;
	[tilespmem:s29+$0xB210] =	vst v1  }
0x55: {  	s31 =	simm.s32 @!p0 $0x3200;
	s30 =	simm.s32 @!p0 $0x80;
	[tilespmem:s29+$0xB220] =	vst v2;
	s29 =	sadd.s32 @!p0 $0x100, s28  }
0x56: {  	[tilespmem:s31], [sflag:$0x1] =	stream.indirect.gather @!p0 [hbm4b:s4+s30], $0x40, s29, s30, $0xb8;
	[tilespmem:$0xF200] =	vst v63  }
0x57: {  	s29 =	sadd.s32 @!p0 $0x1A00, s28;
	s31 =	simm.s32 @!p0 $0x7200  }
0x58: {  	[tilespmem:s31], [sflag:$0x1] =	stream.indirect.gather @!p0 [hbm4b:s5+s30], $0x40, s29, s30, $0xb8;
	[tilespmem:$0xF200] =	vst v63  }
0x59: {  	s29 =	sshll.u32 s26, $0xE  }
0x5a: {  	s29 =	sadd.s32 s8, s29  }
0x5b: {  	s29 =	sshrl.u32 s29, $0x3  }
0x5c: {  	s29 =	sadd.s32 s2, s29  }
0x5d: {  	[hbm4b:s29+s3] =	stream.linear.scatter [tilespmem:s20], [sflag:$0x3], $0x2000, $0x38;
	[tilespmem:$0xF200] =	vst v63  }
0x5e: {  	_ =	swait.ge [sflag:s21], $0x2000  }
0x5f: {  	[sflag:s21] =	ssyncset.done $0x0  }
0x60: {  	[sflag:s21] =	ssyncadd.s32 $0xFFFFE000  }
0x61: {  	_ =	swait.ge [sflag:s21], $0x2000  }
0x62: {  	[sflag:s21] =	ssyncset.done $0x0  }
0x63: {  	s29 =	simm.s32 @!p1 $0x4;
	[sflag:s21] =	ssyncadd.s32 $0xFFFFE000  }
0x64: {  	_ =	swait.ge @!p1 [sflag:s29], $0x2000  }
0x65: {  	[sflag:s29] =	ssyncset.done @!p1 $0x0  }
0x66: {  	s30 =	simm.s32 $0x0;
	[sflag:s29] =	ssyncadd.s32 @!p1 $0xFFFFE000  }
0x67: {  	v4 =	vld [tilespmem:s30+$0x5230]  }
0x68: {  	v5 =	vld [tilespmem:s30+$0x5200]  }
0x69: {  	v7 =	vld [tilespmem:s30+$0x9230]  }
0x6a: {  	v2 =	vld [tilespmem:s30+$0x5210]  }
0x6b: {  	v1 =	vld [tilespmem:s30+$0x5220]  }
0x6c: {  	v3 =	vld [tilespmem:s30+$0x9200];
	v8 =	vmul.f32 $8.000000000e+00, v4  }
0x6d: {  	v4 =	vld [tilespmem:s30+$0x9210]  }
0x6e: {  	s31 =	simm.s32 $0x200;
	s29 =	simm.s32 $0x40;
	v6 =	vmul.f32 $8.000000000e+00, v5;
	v5 =	vld [tilespmem:s30+$0x9220];
	v7 =	vadd.f32 v7, v8  }
.LBB2_7:
0x6f: {  	p1 =	sne.s32 s31, $0x7F00;
	v8 =	vld [tilespmem:s29+$0x5230];
	v9 =	vmul.f32 $8.000000000e+00, v2  }
0x70: {  	v10 =	vld [tilespmem:s29+$0x5200];
	v11 =	vmul.f32 $8.000000000e+00, v1;
	[tilespmem:s30+$0xD230] =	vst v7  }
0x71: {  	v7 =	vld [tilespmem:s29+$0x9230];
	v3 =	vadd.f32 v3, v6  }
.Ltmp2:
0x72: {  	v2 =	vld [tilespmem:s29+$0x5210];
	v4 =	vadd.f32 v4, v9;
	(pc) =	sbr.rel @p1 .LBB2_7-.Ltmp2, $4  }
0x73: {  	v1 =	vld [tilespmem:s29+$0x5220];
	[tilespmem:s30+$0xD200] =	vst v3;
	v5 =	vadd.f32 v5, v11  }
0x74: {  	v3 =	vld [tilespmem:s29+$0x9200];
	v8 =	vmul.f32 $8.000000000e+00, v8;
	[tilespmem:s30+$0xD210] =	vst v4  }
0x75: {  	v6 =	vmul.f32 $8.000000000e+00, v10;
	v4 =	vld [tilespmem:s29+$0x9210];
	[tilespmem:s30+$0xD220] =	vst v5;
	s30 =	smov.u32 s29  }
0x76: {  	s29 =	sshra.s32 s31, $0x2;
	s31 =	sadd.s32 $0x100, s31;
	v5 =	vld [tilespmem:s30+$0x9220];
	v7 =	vadd.f32 v7, v8  }
0x77: {  	v8 =	vld [tilespmem:s29+$0x5230]  }
0x78: {  	v9 =	vld [tilespmem:s29+$0x5200];
	v2 =	vmul.f32 $8.000000000e+00, v2;
	[tilespmem:s30+$0xD230] =	vst v7  }
0x79: {  	v1 =	vmul.f32 $8.000000000e+00, v1;
	v7 =	vld [tilespmem:s29+$0x9230];
	v3 =	vadd.f32 v3, v6  }
0x7a: {  	v60 =	vld [tilespmem:s29+$0x5210];
	v2 =	vadd.f32 v4, v2  }
0x7b: {  	v10 =	vld [tilespmem:s29+$0x5220];
	[tilespmem:s30+$0xD200] =	vst v3;
	v1 =	vadd.f32 v5, v1  }
0x7c: {  	v3 =	vld [tilespmem:s29+$0x9200];
	[tilespmem:s30+$0xD210] =	vst v2  }
0x7d: {  	v2 =	vld [tilespmem:s29+$0x9210];
	[tilespmem:s30+$0xD220] =	vst v1  }
0x7e: {  	v1 =	vmul.f32 $8.000000000e+00, v8;
	v61 =	vld [tilespmem:s29+$0x9220]  }
0x7f: {  	v62 =	vmul.f32 $8.000000000e+00, v9  }
0x80: {  	v6 =	vmul.f32 $8.000000000e+00, v60;
	v1 =	vadd.f32 v7, v1  }
0x81: {  	v63 =	vmul.f32 $8.000000000e+00, v10;
	v3 =	vadd.f32 v3, v62  }
0x82: {  	[tilespmem:s29+$0xD230] =	vst v1;
	v1 =	vadd.f32 v2, v6  }
0x83: {  	[tilespmem:s29+$0xD200] =	vst v3;
	v2 =	vadd.f32 v61, v63  }
0x84: {  	[tilespmem:s29+$0xD210] =	vst v1  }
0x85: {  	s31 =	simm.s32 @!p0 $0x5200;
	s30 =	simm.s32 @!p0 $0x80;
	[tilespmem:s29+$0xD220] =	vst v2;
	s29 =	sadd.s32 @!p0 $0x180, s28  }
0x86: {  	[tilespmem:s31], [sflag:$0x2] =	stream.indirect.gather @!p0 [hbm4b:s4+s30], $0x40, s29, s30, $0xb8;
	[tilespmem:$0xF200] =	vst v63  }
0x87: {  	s26 =	sadd.s32 $0x1, s26;
	s29 =	sadd.s32 @!p0 $0x1A80, s28;
	s31 =	simm.s32 @!p0 $0x9200  }
0x88: {  	[tilespmem:s31], [sflag:$0x2] =	stream.indirect.gather @!p0 [hbm4b:s5+s30], $0x40, s29, s30, $0xb8;
	[tilespmem:$0xF200] =	vst v63  }
0x89: {  	p0 =	sne.s32 s26, $0x19  }
.Ltmp3:
0x8a: {  	s31 =	sadd.s32 s28, s9;
	(pc) =	sbr.rel @p0 .LBB2_4-.Ltmp3, $4  }
0x8b: {  	s28 =	sshll.u32 s31, $0x3  }
0x8c: {  	s28 =	sand.u32 $0x1FFFFC00, s28  }
0x8d: {  	s28 =	sadd.s32 s2, s28  }
0x8e: {  	[hbm4b:s28+s3] =	stream.linear.scatter [tilespmem:s22], [sflag:$0x4], $0x2000, $0x38;
	[tilespmem:$0xF200] =	vst v63  }
0x8f: {  	s25 =	sadd.s32 $0x1, s25  }
0x90: {  	_ =	swait.ge [sflag:s23], $0x2000;
	p0 =	sne.s32 s25, s10  }
.Ltmp4:
0x91: {  	[sflag:s23] =	ssyncset.done $0x0;
	(pc) =	sbr.rel @p0 .LBB2_1-.Ltmp4, $4  }
0x92: {  	[sflag:s23] =	ssyncadd.s32 $0xFFFFE000  }
0x93: {  	_ =	swait.ge [sflag:s24], $0x2000  }
0x94: {  	[sflag:s24] =	ssyncset.done $0x0  }
0x95: {  	[sflag:s24] =	ssyncadd.s32 $0xFFFFE000  }
0x96: {  	_ =	sfence.sel $0x180000  }
0x97: {  	[bflag:$0x0] =	sbarrier.arrive $0xFFFF  }
0x98: {  	p0 =	sne.s32 s0, $0x0;
	_ =	strace $0x90000047  }
0x99: {  	s0 =	sadd.s32 @!p0 $0x100000, s1;
	[bflag:$0x2] =	sbarrier.arrive $0xFFFF  }
0x9a: {  	[sflag:s0] =	ssyncadd.tile.s32 @!p0 $0x1;
	_ =	shalt  }
.Lfunc_end2:
_tile_overlayer_lowered:
.L_overlay_start_2:
0x9b: {  	(tag) =	ssettag $0x2  }
0x9c: {  	s0 =	rddreg [dreg:$0x0];
	s2 =	stileid.u32  }
0x9d: {  	s1 =	rddreg [dreg:$0x1];
	p0 =	sne.s32 s2, $0x0  }
0x9e: {  	s3 =	rddreg [dreg:$0x2];
	[bflag:$0x3] =	sbarrier.arrive $0xFFFF;
	s2 =	simm.s32 @!p0 $0x1C05  }
0x9f: {  	[timem:s3], [sflag:s2] =	dma.local @!p0 [hbm:s0], s1  }
0xa0: {  	s0 =	simm.s32 @!p0 $0x5  }
0xa1: {  	_ =	swait.ge @!p0 [sflag:s0], s1  }
0xa2: {  	s1 =	ssub.s32 @!p0 $0x0, s1;
	[sflag:s0] =	ssyncset.done @!p0 $0x0  }
0xa3: {  	[sflag:s0] =	ssyncadd.s32 @!p0 s1  }
0xa4: {  	[bflag:$0x3] =	sbarrier.arrive $0xFFFF  }
0xa5: {  	_ =	shalt  }

// kernel: sparse-core-data-format-call.cloned.1.call-start
scs
called_computation_lowered:
.L_overlay_start_0:
0x0: {  	s2 =	sld [smem:$0x3FD9]  }
0x1: {  	s3 =	sld [smem:$0x3FFE];
	_ =	sdelay $0x1  }
0x2: {  	s1 =	srdreg.scid  }
0x3: {  	s0 =	sand.u32 $0x1, s1  }
0x4: {  	s18 =	sshll.u32 s0, $0xA;
	s2 =	sadd.s32 s3, s2  }
0x5: {  	s2 =	sadd.s32 s2, s18  }
0x6: {  	[smem:$0x3FC4] =	sst s2  }
0x7: {  	_ = 	snop  }
0x8: {  	s2 =	sld [smem:$0x3FD0];
	(tm) =	ssettm $0x1  }
0x9: {  	s19 =	sld [smem:$0x3FFB];
	_ =	sdelay $0x3  }
0xa: {  	_ =	strace s19  }
0xb: {  	s3 =	sld [smem:$0x3FFC];
	_ =	sdelay $0x3  }
0xc: {  	_ =	strace s3  }
0xd: {  	s3 =	sld [smem:$0x3FFD];
	_ =	sdelay $0x3  }
0xe: {  	_ =	strace s3  }
0xf: {  	_ =	strace $0x8FFFFFFF  }
0x10: {  	s20 =	sld [smem:$0x3FDB];
	_ =	sdelay $0x1  }
0x11: {  	s4 =	simm.s32 $_scs_section_size  }
0x12: {  	s5 =	simm.s32 $_size__tile_overlayer_lowered;
	s6 =	simm.s32 $_tile_overlayer_lowered  }
0x13: {  	s23 =	simm.s32 $0x1BFF;
	s22 =	sshll.u32 s6, $0x1;
	s3 =	sadd.s32 s4, s20  }
0x14: {  	s7 =	simm.s32 $0x0;
	s21 =	sshll.u32 s5, $0x1;
	s5 =	sadd.s32 s22, s3  }
0x15: {  	[timem:s7], [sflag:s23] =	dma.local [hbm:s5], s21  }
0x16: {  	_ =	swait.ge [sflag:s23], s21  }
0x17: {  	s4 =	ssub.s32 $0x0, s21;
	[sflag:s23] =	ssyncset.done $0x0  }
0x18: {  	[sflag:s23] =	ssyncadd.s32 s4;
	_ =	sdelay $0x1  }
0x19: {  	s24 =	simm.s32 $0x1B8B  }
0x1a: {  	_ =	swait.ge [sflag:s24], $0x1  }
0x1b: {  	[sflag:s24] =	ssyncset.done $0x0  }
0x1c: {  	s26 =	simm.s32 $0x1B8E;
	s25 =	sld [smem:$0x3FFE];
	[sflag:s24] =	ssyncadd.s32 $0xFFFFFFFF  }
0x1d: {  	s27 =	simm.s32 $execute0_lowered;
	[smem:$0x3FD2] =	sst s26  }
0x1e: {  	s5 =	sshll.u32 s27, $0x1;
	_ =	strace $0x80000049;
	[dreg:$0x1] =	wrdreg $0xFFFFFFFF  }
0x1f: {  	s28 =	simm.s32 $_size_execute0_lowered;
	s3 =	sadd.s32 s3, s5;
	[dreg:$0x0] =	wrdreg $0x0  }
0x20: {  	s5 =	sshll.u32 s28, $0x1;
	[dreg:$0x2] =	wrdreg s3  }
0x21: {  	[dreg:$0x3] =	wrdreg s5  }
0x22: {  	[dreg:$0x4] =	wrdreg $0xC0  }
0x23: {  	_ =	task [dreg:s7], $0x5FFFF  }
0x24: {  	[dreg:$0x1] =	wrdreg $0xFFFFFFFF  }
0x25: {  	[dreg:$0x0] =	wrdreg $0x60  }
0x26: {  	[dreg:$0x2] =	wrdreg s25  }
0x27: {  	[dreg:$0x3] =	wrdreg s2  }
0x28: {  	[dreg:$0x4] =	wrdreg $0x9  }
0x29: {  	_ =	task.clear_ibuf [dreg:s7], $0x5FFFF;
	_ =	strace $0x90000049  }
0x2a: {  	s29 =	simm.s32 $0x9;
	_ =	strace $0x8000004B  }
0x2b: {  	_ =	swait.ge [sflag:s29], $0x1  }
0x2c: {  	[sflag:s29] =	ssyncadd.s32 $0xFFFFFFFF  }
0x2d: {  	_ =	strace $0x9000004B  }
0x2e: {  	_ =	sfence  }
0x2f: {  	s30 =	sld [smem:$0x0];
	_ =	sdelay $0x2  }
0x30: {  	s31 =	sshll.u32 s1, $0xD;
	s1 =	sshrl.u32 s1, $0x2  }
0x31: {  	s3 =	sand.u32 $0x4000, s31;
	s1 =	sadd.s32 s1, s30  }
0x32: {  	s0 =	sor.u32 s3, s0;
	s1 =	sshll.u32 s1, $0x11  }
0x33: {  	s0 =	sor.u32 s1, s0  }
0x34: {  	s0 =	sadd.s32 $0x8F2B, s0  }
0x35: {  	[sflag:s0] =	ssyncadd.remote.s32 $0x1  }
0x36: {  	_ =	sfence.sel $0xFFFF  }
0x37: {  	[dreg:$0x0] =	wrdreg $0xFFFFFFFF;
	(pc) =	sbr.abs _section_cstart, $3  }
0x38: {  	[dreg:$0x1] =	wrdreg $0xFFFFFFFF  }
0x39: {  	_ =	task.clear_ibuf [dreg:s7], $0x2FFFF;
	_ =	strace $0x9FFFFFFF  }
0x3a: {  	(tm) =	ssettm $0x7FFFFFFF  }
0x3b: {  	_ =	shalt  }
tec
execute0_lowered:
.L_overlay_start_1:
0x0: {  	(tag) =	ssettag $0x1  }
0x1: {  	s0 =	stileid.u32;
	s6 =	rddreg [dreg:$0x0]  }
0x2: {  	s2 =	rddreg [dreg:$0x1];
	s5 =	srdreg.scid  }
0x3: {  	s31 =	simm.s32 $0x2;
	s13 =	simm.s32 $0x0;
	s1 =	sshll.u32 s0, $0x7  }
0x4: {  	s14 =	simm.s32 $0x0;
	s12 =	simm.s32 $0x0;
	s3 =	sand.u32 $0x380, s1  }
0x5: {  	s5 =	sshll.u32 s5, $0x4;
	s6 =	sadd.s32 $0x600, s6;
	s4 =	ssub.s32 $0x400, s3  }
0x6: {  	s1 =	rddreg [dreg:$0x2];
	_ =	strace $0x8000004A;
	s7 =	sand.u32 $0x380, s4  }
0x7: {  	s5 =	sand.u32 $0x10, s5;
	p0 =	sne.s32 s7, $0x0;
	s7 =	simm.s32 $0x1  }
.Ltmp0:
0x8: {  	s8 =	sshrl.u32 s4, $0xA;
	s7 =	simm.s32 @!p0 $0x0;
	(pc) =	sbr.rel .LBB1_1-.Ltmp0, $4  }
0x9: {  	s9 =	sor.u32 s0, s5;
	s4 =	simm.s32 $0x1;
	s30 =	sadd.s32 s7, s8  }
0xa: {  	s11 =	smov.u32 s3;
	[sflag:s4] =	ssyncpa.u1 $0x0;
	s5 =	smul.u32 $0x32, s30  }
0xb: {  	[sflag:s31] =	ssyncpa.u1 $0x0;
	p0 =	por $0x0, $0x0;
	s7 =	sshrl.u32 s9, $0x3  }
0xc: {  	s9 =	simm.s32 $0x2000;
	s10 =	smov.u32 s7;
	s8 =	sor.u32 $0x1, s5  }
.LBB1_4:
0xd: {  	s17 =	sand.u32 $0x1F80, s14;
	s13 =	sshll.u32 s13, $0xD  }
0xe: {  	[tilespmem:s16+$0x810 ss:$0x81] =	vst.msk $0xffff, v2;
	s18 =	sshrl.u32 s14, $0x3;
	s31 =	sand.u32 $0x7, s14;
	s17 =	sadd.s32 s2, s17  }
0xf: {  	[tilespmem:s16+$0x1020 ss:$0x81] =	vst.msk $0xffff, v0;
	s18 =	sand.u32 $0xF, s18;
	s14 =	sshll.u32 s31, $0x12;
	s13 =	sadd.s32 s13, s17  }
0x10: {  	[tilespmem:s16+$0x0 ss:$0x81] =	vst.msk $0xffff, v1;
	s14 =	sor.u32 $0x400, s14;
	s13 =	sadd.s32 s18, s13  }
0x11: {  	[hbm4b:s13+s14] =	stream.strided.scatter [tilespmem:s15], [sflag:$0x2], $0x2000, s9, s14, $0x20;
	[tilespmem:$0x8080] =	vst v63  }
.LBB1_5:
0x12: {  	s15 =	sadd.s32 $0x4, s10  }
0x13: {  	s13 =	sadd.s32 $0x400, s11;
	s17 =	smov.u32 s11;
	p2 =	sgt.s32 s15, $0xC7  }
0x14: {  	s17 =	smov.u32 @p2 s13  }
0x15: {  	s15 =	smov.u32 @p2 s7;
	p2 =	sgt.s32 s17, $0x3FF  }
0x16: {  	s17 =	smov.u32 @p2 s3;
	p2 =	sne.s32 s12, s8  }
.Ltmp1:
0x17: {  	p1 =	slt.u32 s12, $0x2;
	(pc) =	sbr.rel @!p2 .LBB1_6-.Ltmp1, $4  }
0x18: {  	s16 =	simm.s32 @!p1 $0x2  }
0x19: {  	s14 =	smov.u32 s11;
	p0 =	por !p0, !p0;
	_ =	swait.ge @!p1 [sflag:s16], $0x2000  }
0x1a: {  	s13 =	smov.u32 s10;
	[sflag:s16] =	ssyncset.done @!p1 $0x0;
	s10 =	smov.u32 s15  }
0x1b: {  	s12 =	sadd.s32 $0x1, s12;
	[sflag:s16] =	ssyncadd.s32 @!p1 $0xFFFFE000;
	s11 =	smov.u32 s17  }
.LBB1_1:
0x1c: {  	p1 =	sge.u32 s12, s5  }
0x1d: {  	s15 =	sand.u32 @!p1 $0x1FFFFFF, s10  }
0x1e: {  	s16 =	smulhi.u32 @!p1 $0x147AE15, s15;
	_ =	sdelay $0x1  }
0x1f: {  	s16 =	smul.u32 @!p1 $0xC8, s16  }
0x20: {  	s17 =	sxor.u32 @!p1 $0xFFFFFFFF, s12;
	s18 =	smul.u32 @!p1 $0xC80, s11  }
0x21: {  	s31 =	sadd.s32 $0xFFFFFFFF, s12;
	s17 =	sshll.u32 @!p1 s17, $0xD;
	s15 =	ssub.s32 @!p1 s15, s16  }
0x22: {  	s16 =	sand.u32 @!p1 $0x2000, s17;
	s17 =	sadd.s32 @!p1 s6, s18;
	s15 =	sshll.u32 @!p1 s15, $0x4  }
0x23: {  	s18 =	simm.s32 @!p1 $0x6400;
	s15 =	sadd.s32 @!p1 s15, s17;
	s17 =	simm.s32 @!p1 $0x40  }
0x24: {  	[tilespmem:s16], [sflag:$0x1] =	stream.strided.gather @!p1 [hbm4b:s15+s17], $0x2000, s18, s17, $0x38;
	[tilespmem:$0x8080] =	vst v63  }
0x25: {  	p1 =	sge.u32 s31, s5  }
.Ltmp2:
0x26: {  	_ = 	snop;
	(pc) =	sbr.rel @p1 .LBB1_5-.Ltmp2, $1  }
0x27: {  	_ =	sdelay $0x3  }
0x28: {  	s15 =	simm.s32 $0x1  }
0x29: {  	_ =	swait.ge [sflag:s4], $0x2000;
	s15 =	simm.s32 @!p0 $0x0  }
0x2a: {  	[sflag:s4] =	ssyncset.done $0x0;
	s16 =	sshll.u32 s15, $0xD  }
0x2b: {  	[sflag:s4] =	ssyncadd.s32 $0xFFFFE000;
	s19 =	sor.u32 $0x20, s16  }
0x2c: {  	s15 =	smul.u32 $0x8100, s15;
	v3 =	vld [tilespmem:s19+$0x10]  }
0x2d: {  	s30 =	sand.u32 $0x1, s12;
	v2 =	vld [tilespmem:s19+$0xFFFFFFF0]  }
0x2e: {  	s16 =	smul.u32 $0x8100, s30;
	s15 =	sshrl.u32 s15, $0x2;
	v0 =	vld [tilespmem:s19+$0x0]  }
0x2f: {  	v1 =	vld [tilespmem:s19+$0xFFFFFFE0];
	s17 =	sor.u32 $0x4000, s15  }
0x30: {  	s31 =	sshrl.u32 s16, $0x2;
	s16 =	sadd.s32 $0x0, s17  }
0x31: {  	s18 =	simm.s32 $0x4;
	s19 =	sadd.s32 $0x40, s19;
	s15 =	sor.u32 $0x4000, s31;
	[tilespmem:s16+$0x1830 ss:$0x81] =	vst.msk $0xffff, v3  }
.LBB1_3:
0x32: {  	v3 =	vld [tilespmem:s19+$0x10];
	p1 =	sne.s32 s18, $0x1FC;
	[tilespmem:s16+$0x810 ss:$0x81] =	vst.msk $0xffff, v2;
	s20 =	smov.u32 s18;
	s18 =	sadd.s32 $0x4, s18  }
.Ltmp3:
0x33: {  	v2 =	vld [tilespmem:s19+$0xFFFFFFF0];
	[tilespmem:s16+$0x1020 ss:$0x81] =	vst.msk $0xffff, v0;
	(pc) =	sbr.rel @p1 .LBB1_3-.Ltmp3, $4  }
0x34: {  	v0 =	vld [tilespmem:s19+$0x0];
	[tilespmem:s16+$0x0 ss:$0x81] =	vst.msk $0xffff, v1  }
0x35: {  	s16 =	sshra.s32 s20, $0x2;
	v1 =	vld [tilespmem:s19+$0xFFFFFFE0]  }
0x36: {  	s16 =	sadd.s32 s16, s17  }
0x37: {  	s19 =	sadd.s32 $0x40, s19;
	[tilespmem:s16+$0x1830 ss:$0x81] =	vst.msk $0xffff, v3  }
.Ltmp4:
0x38: {  	_ = 	snop;
	(pc) =	sbr.rel .LBB1_4-.Ltmp4, $1  }
0x39: {  	_ =	sdelay $0x3  }
.LBB1_6:
0x3a: {  	_ =	sfence.sel $0x180000  }
0x3b: {  	s2 =	simm.s32 $0x1;
	[bflag:$0x0] =	sbarrier.arrive $0xFFFF  }
0x3c: {  	s31 =	simm.s32 $0x2;
	[sflag:s2] =	ssyncpa.u1 $0x1  }
0x3d: {  	[sflag:s31] =	ssyncpa.u1 $0x1  }
0x3e: {  	p0 =	sne.s32 s0, $0x0;
	_ =	strace $0x9000004A  }
0x3f: {  	s0 =	sadd.s32 @!p0 $0x100000, s1;
	[bflag:$0x2] =	sbarrier.arrive $0xFFFF  }
0x40: {  	[sflag:s0] =	ssyncadd.tile.s32 @!p0 $0x1;
	_ =	shalt  }
.Lfunc_end1:
_tile_overlayer_lowered:
.L_overlay_start_2:
0x41: {  	(tag) =	ssettag $0x2  }
0x42: {  	s0 =	rddreg [dreg:$0x0];
	s2 =	stileid.u32  }
0x43: {  	s1 =	rddreg [dreg:$0x1];
	p0 =	sne.s32 s2, $0x0  }
0x44: {  	s3 =	rddreg [dreg:$0x2];
	[bflag:$0x3] =	sbarrier.arrive $0xFFFF;
	s2 =	simm.s32 @!p0 $0x1C01  }
0x45: {  	[timem:s3], [sflag:s2] =	dma.local @!p0 [hbm:s0], s1  }
0x46: {  	s0 =	simm.s32 @!p0 $0x1  }
0x47: {  	_ =	swait.ge @!p0 [sflag:s0], s1  }
0x48: {  	s1 =	ssub.s32 @!p0 $0x0, s1;
	[sflag:s0] =	ssyncset.done @!p0 $0x0  }
0x49: {  	[sflag:s0] =	ssyncadd.s32 @!p0 s1  }
0x4a: {  	[bflag:$0x3] =	sbarrier.arrive $0xFFFF  }
0x4b: {  	_ =	shalt  }

</sc_bundles>
